<compile_context>
chip_gen: v7x
topology: tpu7x:2x2x1
jax: 0.10.2.dev20260603
libtpu: 0.0.44.dev20260713+nightly
codegen_flags: <defaults>
</compile_context>

<pallas_src>
import jax
import jax.numpy as jnp
from jax.experimental import pallas as pl
from jax.experimental.pallas import tpu as pltpu

_N = 5000
_B = 256
_NB = (_N + _B - 1) // _B
_NPAD = _NB * _B
_SCORE_THRESH = 0.05
_NMS_THRESH = 0.5
_MAX_DET = 100


def _iou_mask(ax1, ay1, ax2, ay2, bx1, by1, bx2, by2):
    ix1 = jnp.maximum(ax1, bx1)
    iy1 = jnp.maximum(ay1, by1)
    ix2 = jnp.minimum(ax2, bx2)
    iy2 = jnp.minimum(ay2, by2)
    iw = jnp.maximum(ix2 - ix1, 0.0)
    ih = jnp.maximum(iy2 - iy1, 0.0)
    inter = iw * ih
    area_a = (ax2 - ax1) * (ay2 - ay1)
    area_b = (bx2 - bx1) * (by2 - by1)
    union = area_a + area_b - inter
    iou = inter / jnp.maximum(union, 1e-9)
    return iou > _NMS_THRESH


def _nms_kernel(x1r, y1r, x2r, y2r, sr,
                x1c, y1c, x2c, y2c, sc,
                out_ref,
                keep_ref):
    f32 = jnp.float32

    def row(ref, bi):
        return ref[pl.ds(bi, 1), :]

    def col(ref, bi):
        return ref[pl.ds(bi * _B, _B), :]

    ii = jax.lax.broadcasted_iota(jnp.int32, (_B, _B), 0)
    jj = jax.lax.broadcasted_iota(jnp.int32, (_B, _B), 1)
    upper = (ii < jj)
    upper_f = upper.astype(f32)

    def matvec(k, m):
        return jnp.dot(k, m, preferred_element_type=f32)

    def main_cond(st):
        bi, cnt = st
        return jnp.logical_and(bi < _NB, cnt < jnp.float32(_MAX_DET))

    def main_body(st):
        bi, cnt = st
        bx1, by1, bx2, by2 = row(x1r, bi), row(y1r, bi), row(x2r, bi), row(y2r, bi)
        sb = row(sr, bi)
        v = (sb > _SCORE_THRESH).astype(f32)

        def cross(bj, v):
            m = _iou_mask(col(x1c, bj), col(y1c, bj), col(x2c, bj), col(y2c, bj),
                          bx1, by1, bx2, by2)
            krow = row(keep_ref, bj)
            supp = matvec(krow, m.astype(f32))
            return jnp.where(supp > 0.0, 0.0, v)

        v = jax.lax.fori_loop(0, bi, cross, v)

        m = _iou_mask(col(x1c, bi), col(y1c, bi), col(x2c, bi), col(y2c, bi),
                      bx1, by1, bx2, by2)
        mf = jnp.where(upper, m.astype(f32), 0.0)
        vf = v

        def conv_cond(cs):
            _, changed = cs
            return changed

        def conv_body(cs):
            k, _ = cs
            supp = matvec(k, mf) > 0.0
            k_new = jnp.where(supp, 0.0, vf)
            return k_new, jnp.any(k_new != k)

        k, _ = jax.lax.while_loop(conv_cond, conv_body, (vf, jnp.bool_(True)))

        keep_ref[pl.ds(bi, 1), :] = k
        return bi + 1, cnt + jnp.sum(k)

    nblk, cnt = jax.lax.while_loop(main_cond, main_body,
                                   (jnp.int32(0), jnp.float32(0.0)))

    kcap = jnp.minimum(cnt, jnp.float32(_MAX_DET))
    iom = jax.lax.broadcasted_iota(jnp.int32, (_MAX_DET, _B), 0)
    ioj = jax.lax.broadcasted_iota(jnp.int32, (1, _B), 1)
    ones_col = jnp.ones((_B, 1), f32)

    def sel_body(bj, carry):
        kept_before, nk_before, acc4, acc1 = carry
        k = row(keep_ref, bj)
        real = ((bj * _B + ioj) < _N).astype(f32)
        nk = (1.0 - k) * real

        pk = matvec(k, upper_f)
        pn = matvec(nk, upper_f)
        slot = jnp.where(k > 0.0, kept_before + pk, kcap + nk_before + pn)
        sel = jnp.logical_and(jnp.logical_or(k > 0.0, nk > 0.0),
                              slot < jnp.float32(_MAX_DET))
        oh = jnp.where(jnp.logical_and(sel, iom == slot.astype(jnp.int32)),
                       1.0, 0.0)
        oh_k = oh * k
        oh_n = oh * nk

        coords = jnp.concatenate(
            [col(x1c, bj), col(y1c, bj), col(x2c, bj), col(y2c, bj)], axis=1)
        acc4 = acc4 + jnp.dot(oh, coords, preferred_element_type=f32)
        acc1 = acc1 + (jnp.dot(oh_k, col(sc, bj), preferred_element_type=f32)
                       - jnp.dot(oh_n, ones_col, preferred_element_type=f32))
        return (kept_before + jnp.sum(k), nk_before + jnp.sum(nk), acc4, acc1)

    init = (jnp.float32(0.0), jnp.float32(0.0),
            jnp.zeros((_MAX_DET, 4), f32), jnp.zeros((_MAX_DET, 1), f32))
    _, _, acc4, acc1 = jax.lax.fori_loop(0, nblk, sel_body, init)
    out_ref[:, :] = jnp.concatenate([acc4, acc1], axis=1)


def kernel(boxes, scores):
    order = jnp.argsort(-scores)
    b = boxes[order]
    s = scores[order]

    pad = _NPAD - _N
    sp = jnp.concatenate([s, jnp.full((pad,), -1.0, jnp.float32)])
    bp = jnp.concatenate([b, jnp.zeros((pad, 4), jnp.float32)], axis=0)

    x1r = bp[:, 0].reshape(_NB, _B)
    y1r = bp[:, 1].reshape(_NB, _B)
    x2r = bp[:, 2].reshape(_NB, _B)
    y2r = bp[:, 3].reshape(_NB, _B)
    sr = sp.reshape(_NB, _B)
    x1c = bp[:, 0].reshape(_NPAD, 1)
    y1c = bp[:, 1].reshape(_NPAD, 1)
    x2c = bp[:, 2].reshape(_NPAD, 1)
    y2c = bp[:, 3].reshape(_NPAD, 1)
    sc = sp.reshape(_NPAD, 1)

    return pl.pallas_call(
        _nms_kernel,
        out_shape=jax.ShapeDtypeStruct((_MAX_DET, 5), jnp.float32),
        scratch_shapes=[pltpu.VMEM((_NB, _B), jnp.float32)],
    )(x1r, y1r, x2r, y2r, sr, x1c, y1c, x2c, y2c, sc)

# --- scband reference (transcript-rebuilt; emitter-appended) ---
"""Pipeline reference for scband-standard-roiheads-14293651161369 (READ-ONLY COPY).

The authoritative reference and input builder live on the scoring server;
editing this copy changes nothing except your own understanding.
"""

import jax, jax.numpy as jnp
import numpy as np

N = 5000
SCORE_THRESH = 0.05
NMS_THRESH = 0.5
MAX_DET = 100


def setup_inputs(seed: int = 0) -> dict:
    key = jax.random.key(seed)
    k1, k2, k3 = jax.random.split(key, 3)
    # valid boxes in a ~1024px image: x1y1 + positive width/height
    xy = jax.random.uniform(k1, (N, 2), dtype=jnp.float32) * 900.0
    wh = jax.random.uniform(k2, (N, 2), dtype=jnp.float32) * 120.0 + 4.0
    boxes = jnp.concatenate([xy, xy + wh], axis=1)
    scores = jax.random.uniform(k3, (N,), dtype=jnp.float32)
    return {"boxes": boxes, "scores": scores}


def _iou_matrix(b):
    x1, y1, x2, y2 = b[:, 0], b[:, 1], b[:, 2], b[:, 3]
    area = (x2 - x1) * (y2 - y1)
    ix1 = jnp.maximum(x1[:, None], x1[None, :])
    iy1 = jnp.maximum(y1[:, None], y1[None, :])
    ix2 = jnp.minimum(x2[:, None], x2[None, :])
    iy2 = jnp.minimum(y2[:, None], y2[None, :])
    iw = jnp.clip(ix2 - ix1, 0.0)
    ih = jnp.clip(iy2 - iy1, 0.0)
    inter = iw * ih
    union = area[:, None] + area[None, :] - inter
    return inter / jnp.maximum(union, 1e-9)


def reference(boxes, scores):
    # fast_rcnn_inference-style post-processing (class-agnostic):
    # 1) sort by score, 2) score threshold, 3) greedy NMS, 4) keep top detections_per_img
    order = jnp.argsort(-scores)
    b = boxes[order]
    s = scores[order]
    valid = s > SCORE_THRESH
    iou = _iou_matrix(b)
    idx = jnp.arange(N)

    def body(i, keep):
        suppress = (iou[i] > NMS_THRESH) & (idx > i)
        return jnp.where(keep[i], keep & (~suppress), keep)

    keep = jax.lax.fori_loop(0, N, body, valid)
    masked = jnp.where(keep, s, -1.0)
    top_s, top_i = jax.lax.top_k(masked, MAX_DET)
    top_b = b[top_i]
    return jnp.concatenate([top_b, top_s[:, None]], axis=1)

if __name__ == "__main__":
    import jax
    _d = setup_inputs()
    print(jax.jit(kernel)(*tuple(_d.values())))

</pallas_src>

<mosaic_0001>
module attributes {stable_mosaic.version = 14 : i64} {
  func.func @_nms_kernel(%arg0: memref<20x256xf32, #tpu.memory_space<vmem>>, %arg1: memref<20x256xf32, #tpu.memory_space<vmem>>, %arg2: memref<20x256xf32, #tpu.memory_space<vmem>>, %arg3: memref<20x256xf32, #tpu.memory_space<vmem>>, %arg4: memref<20x256xf32, #tpu.memory_space<vmem>>, %arg5: memref<5120x1xf32, #tpu.memory_space<vmem>>, %arg6: memref<5120x1xf32, #tpu.memory_space<vmem>>, %arg7: memref<5120x1xf32, #tpu.memory_space<vmem>>, %arg8: memref<5120x1xf32, #tpu.memory_space<vmem>>, %arg9: memref<5120x1xf32, #tpu.memory_space<vmem>>, %arg10: memref<100x5xf32, #tpu.memory_space<vmem>>, %arg11: memref<20x256xf32, #tpu.memory_space<vmem>>) attributes {dimension_semantics = [], scalar_prefetch = 0 : i64, scratch_operands = 1 : i64, tpu.core_type = #tpu.core_type<tc>} {
    %iota3A = tpu.iota {dimensions = array<i32: 0>} : vector<256x256xi32>
    %iota3A_0 = tpu.iota {dimensions = array<i32: 1>} : vector<256x256xi32>
    %lt3A = arith.cmpi slt, %iota3A, %iota3A_0 : vector<256x256xi32>
    %convert_element_type3A = arith.extui %lt3A : vector<256x256xi1> to vector<256x256xi32>
    %convert_element_type3A_1 = arith.sitofp %convert_element_type3A : vector<256x256xi32> to vector<256x256xf32>
    %while3A = arith.constant 0 : i32
    %while3A_2 = arith.constant 0.000000e+00 : f32
    %while3A_3:2 = scf.while (%while3A_27 = %while3A, %while3A_28 = %while3A_2) : (i32, f32) -> (i32, f32) {
      %lt3A_29 = arith.constant 20 : i32
      %lt3A_30 = arith.cmpi slt, %while3A_27, %lt3A_29 : i32
      %lt3A_31 = arith.constant 1.000000e+02 : f32
      %lt3A_32 = arith.cmpf olt, %while3A_28, %lt3A_31 : f32
      %and3A = arith.andi %lt3A_30, %lt3A_32 : i1
      scf.condition(%and3A) %while3A_27, %while3A_28 : i32, f32
    } do {
    ^bb0(%while3A_27: i32, %while3A_28: f32):
      %get3A = arith.index_cast %while3A_27 : i32 to index
      %get3A_29 = arith.constant 0 : index
      %get3A_30 = vector.load %arg0[%get3A, %get3A_29] : memref<20x256xf32, #tpu.memory_space<vmem>>, vector<1x256xf32>
      %get3A_31 = arith.index_cast %while3A_27 : i32 to index
      %get3A_32 = arith.constant 0 : index
      %get3A_33 = vector.load %arg1[%get3A_31, %get3A_32] : memref<20x256xf32, #tpu.memory_space<vmem>>, vector<1x256xf32>
      %get3A_34 = arith.index_cast %while3A_27 : i32 to index
      %get3A_35 = arith.constant 0 : index
      %get3A_36 = vector.load %arg2[%get3A_34, %get3A_35] : memref<20x256xf32, #tpu.memory_space<vmem>>, vector<1x256xf32>
      %get3A_37 = arith.index_cast %while3A_27 : i32 to index
      %get3A_38 = arith.constant 0 : index
      %get3A_39 = vector.load %arg3[%get3A_37, %get3A_38] : memref<20x256xf32, #tpu.memory_space<vmem>>, vector<1x256xf32>
      %get3A_40 = arith.index_cast %while3A_27 : i32 to index
      %get3A_41 = arith.constant 0 : index
      %get3A_42 = vector.load %arg4[%get3A_40, %get3A_41] : memref<20x256xf32, #tpu.memory_space<vmem>>, vector<1x256xf32>
      %gt3A = arith.constant 5.000000e-02 : f32
      %gt3A_43 = vector.broadcast %gt3A : f32 to vector<1x256xf32>
      %gt3A_44 = arith.cmpf ogt, %get3A_42, %gt3A_43 : vector<1x256xf32>
      %convert_element_type3A_45 = arith.extui %gt3A_44 : vector<1x256xi1> to vector<1x256xi32>
      %convert_element_type3A_46 = arith.sitofp %convert_element_type3A_45 : vector<1x256xi32> to vector<1x256xf32>
      %while3A_47 = arith.constant 0 : i32
      %while3A_48 = arith.subi %while3A_27, %while3A_47 : i32
      %while3A_49 = arith.addi %while3A_47, %while3A_48 : i32
      %while3A_50 = arith.constant 1 : i32
      %while3A_51 = arith.divsi %while3A_48, %while3A_50 : i32
      %while3A_52 = arith.muli %while3A_51, %while3A_50 : i32
      %while3A_53 = arith.addi %while3A_47, %while3A_52 : i32
      %while3A_54 = arith.constant 1 : i32
      %while3A_55 = scf.for %while3A_126 = %while3A_47 to %while3A_53 step %while3A_54 iter_args(%while3A_127 = %convert_element_type3A_46) -> (vector<1x256xf32>)  : i32 {
        %mul3A_128 = arith.constant 256 : i32
        %mul3A_129 = arith.muli %while3A_126, %mul3A_128 : i32
        %get3A_130 = arith.index_cast %mul3A_129 : i32 to index
        %get3A_131 = arith.constant 0 : index
        %get3A_132 = vector.load %arg5[%get3A_130, %get3A_131] : memref<5120x1xf32, #tpu.memory_space<vmem>>, vector<256x1xf32>
        %mul3A_133 = arith.constant 256 : i32
        %mul3A_134 = arith.muli %while3A_126, %mul3A_133 : i32
        %get3A_135 = arith.index_cast %mul3A_134 : i32 to index
        %get3A_136 = arith.constant 0 : index
        %get3A_137 = vector.load %arg6[%get3A_135, %get3A_136] : memref<5120x1xf32, #tpu.memory_space<vmem>>, vector<256x1xf32>
        %mul3A_138 = arith.constant 256 : i32
        %mul3A_139 = arith.muli %while3A_126, %mul3A_138 : i32
        %get3A_140 = arith.index_cast %mul3A_139 : i32 to index
        %get3A_141 = arith.constant 0 : index
        %get3A_142 = vector.load %arg7[%get3A_140, %get3A_141] : memref<5120x1xf32, #tpu.memory_space<vmem>>, vector<256x1xf32>
        %mul3A_143 = arith.constant 256 : i32
        %mul3A_144 = arith.muli %while3A_126, %mul3A_143 : i32
        %get3A_145 = arith.index_cast %mul3A_144 : i32 to index
        %get3A_146 = arith.constant 0 : index
        %get3A_147 = vector.load %arg8[%get3A_145, %get3A_146] : memref<5120x1xf32, #tpu.memory_space<vmem>>, vector<256x1xf32>
        %max3A_148 = vector.broadcast %get3A_132 : vector<256x1xf32> to vector<256x256xf32>
        %max3A_149 = vector.broadcast %get3A_30 : vector<1x256xf32> to vector<256x256xf32>
        %max3A_150 = arith.maximumf %max3A_148, %max3A_149 : vector<256x256xf32>
        %max3A_151 = vector.broadcast %get3A_137 : vector<256x1xf32> to vector<256x256xf32>
        %max3A_152 = vector.broadcast %get3A_33 : vector<1x256xf32> to vector<256x256xf32>
        %max3A_153 = arith.maximumf %max3A_151, %max3A_152 : vector<256x256xf32>
        %min3A_154 = vector.broadcast %get3A_142 : vector<256x1xf32> to vector<256x256xf32>
        %min3A_155 = vector.broadcast %get3A_36 : vector<1x256xf32> to vector<256x256xf32>
        %min3A_156 = arith.minimumf %min3A_154, %min3A_155 : vector<256x256xf32>
        %min3A_157 = vector.broadcast %get3A_147 : vector<256x1xf32> to vector<256x256xf32>
        %min3A_158 = vector.broadcast %get3A_39 : vector<1x256xf32> to vector<256x256xf32>
        %min3A_159 = arith.minimumf %min3A_157, %min3A_158 : vector<256x256xf32>
        %sub3A_160 = arith.subf %min3A_156, %max3A_150 : vector<256x256xf32>
        %max3A_161 = arith.constant 0.000000e+00 : f32
        %max3A_162 = vector.broadcast %max3A_161 : f32 to vector<256x256xf32>
        %max3A_163 = arith.maximumf %sub3A_160, %max3A_162 : vector<256x256xf32>
        %sub3A_164 = arith.subf %min3A_159, %max3A_153 : vector<256x256xf32>
        %max3A_165 = arith.constant 0.000000e+00 : f32
        %max3A_166 = vector.broadcast %max3A_165 : f32 to vector<256x256xf32>
        %max3A_167 = arith.maximumf %sub3A_164, %max3A_166 : vector<256x256xf32>
        %mul3A_168 = arith.mulf %max3A_163, %max3A_167 : vector<256x256xf32>
        %sub3A_169 = arith.subf %get3A_142, %get3A_132 : vector<256x1xf32>
        %sub3A_170 = arith.subf %get3A_147, %get3A_137 : vector<256x1xf32>
        %mul3A_171 = arith.mulf %sub3A_169, %sub3A_170 : vector<256x1xf32>
        %sub3A_172 = arith.subf %get3A_36, %get3A_30 : vector<1x256xf32>
        %sub3A_173 = arith.subf %get3A_39, %get3A_33 : vector<1x256xf32>
        %mul3A_174 = arith.mulf %sub3A_172, %sub3A_173 : vector<1x256xf32>
        %add3A_175 = vector.broadcast %mul3A_171 : vector<256x1xf32> to vector<256x256xf32>
        %add3A_176 = vector.broadcast %mul3A_174 : vector<1x256xf32> to vector<256x256xf32>
        %add3A_177 = arith.addf %add3A_175, %add3A_176 : vector<256x256xf32>
        %sub3A_178 = arith.subf %add3A_177, %mul3A_168 : vector<256x256xf32>
        %max3A_179 = arith.constant 9.99999971E-10 : f32
        %max3A_180 = vector.broadcast %max3A_179 : f32 to vector<256x256xf32>
        %max3A_181 = arith.maximumf %sub3A_178, %max3A_180 : vector<256x256xf32>
        %div3A_182 = arith.divf %mul3A_168, %max3A_181 : vector<256x256xf32>
        %gt3A_183 = arith.constant 5.000000e-01 : f32
        %gt3A_184 = vector.broadcast %gt3A_183 : f32 to vector<256x256xf32>
        %gt3A_185 = arith.cmpf ogt, %div3A_182, %gt3A_184 : vector<256x256xf32>
        %get3A_186 = arith.index_cast %while3A_126 : i32 to index
        %get3A_187 = arith.constant 0 : index
        %get3A_188 = vector.load %arg11[%get3A_186, %get3A_187] : memref<20x256xf32, #tpu.memory_space<vmem>>, vector<1x256xf32>
        %convert_element_type3A_189 = arith.extui %gt3A_185 : vector<256x256xi1> to vector<256x256xi32>
        %convert_element_type3A_190 = arith.sitofp %convert_element_type3A_189 : vector<256x256xi32> to vector<256x256xf32>
        %dot_general3A = arith.constant dense<0.000000e+00> : vector<1x256xf32>
        %dot_general3A_191 = tpu.matmul %get3A_188, %convert_element_type3A_190, %dot_general3A {dimension_numbers = #tpu.dot_dimension_numbers<[1], [0], [0], [1], [0, 0, 1, 1], [], []>, transpose_lhs_hint = false} : vector<1x256xf32>, vector<256x256xf32>, vector<1x256xf32> -> vector<1x256xf32>
        %gt3A_192 = arith.constant 0.000000e+00 : f32
        %gt3A_193 = vector.broadcast %gt3A_192 : f32 to vector<1x256xf32>
        %gt3A_194 = arith.cmpf ogt, %dot_general3A_191, %gt3A_193 : vector<1x256xf32>
        %jit3A_195 = arith.constant 0.000000e+00 : f32
        %broadcast_in_dim3A_196 = vector.broadcast %jit3A_195 : f32 to vector<1x256xf32>
        %select_n3A_197 = arith.select %gt3A_194, %broadcast_in_dim3A_196, %while3A_127 : vector<1x256xi1>, vector<1x256xf32>
        scf.yield %select_n3A_197 : vector<1x256xf32>
      }
      %while3A_56 = arith.constant 1 : i32
      %while3A_57 = scf.for %while3A_126 = %while3A_53 to %while3A_49 step %while3A_56 iter_args(%while3A_127 = %while3A_55) -> (vector<1x256xf32>)  : i32 {
        %mul3A_128 = arith.constant 256 : i32
        %mul3A_129 = arith.muli %while3A_126, %mul3A_128 : i32
        %get3A_130 = arith.index_cast %mul3A_129 : i32 to index
        %get3A_131 = arith.constant 0 : index
        %get3A_132 = vector.load %arg5[%get3A_130, %get3A_131] : memref<5120x1xf32, #tpu.memory_space<vmem>>, vector<256x1xf32>
        %mul3A_133 = arith.constant 256 : i32
        %mul3A_134 = arith.muli %while3A_126, %mul3A_133 : i32
        %get3A_135 = arith.index_cast %mul3A_134 : i32 to index
        %get3A_136 = arith.constant 0 : index
        %get3A_137 = vector.load %arg6[%get3A_135, %get3A_136] : memref<5120x1xf32, #tpu.memory_space<vmem>>, vector<256x1xf32>
        %mul3A_138 = arith.constant 256 : i32
        %mul3A_139 = arith.muli %while3A_126, %mul3A_138 : i32
        %get3A_140 = arith.index_cast %mul3A_139 : i32 to index
        %get3A_141 = arith.constant 0 : index
        %get3A_142 = vector.load %arg7[%get3A_140, %get3A_141] : memref<5120x1xf32, #tpu.memory_space<vmem>>, vector<256x1xf32>
        %mul3A_143 = arith.constant 256 : i32
        %mul3A_144 = arith.muli %while3A_126, %mul3A_143 : i32
        %get3A_145 = arith.index_cast %mul3A_144 : i32 to index
        %get3A_146 = arith.constant 0 : index
        %get3A_147 = vector.load %arg8[%get3A_145, %get3A_146] : memref<5120x1xf32, #tpu.memory_space<vmem>>, vector<256x1xf32>
        %max3A_148 = vector.broadcast %get3A_132 : vector<256x1xf32> to vector<256x256xf32>
        %max3A_149 = vector.broadcast %get3A_30 : vector<1x256xf32> to vector<256x256xf32>
        %max3A_150 = arith.maximumf %max3A_148, %max3A_149 : vector<256x256xf32>
        %max3A_151 = vector.broadcast %get3A_137 : vector<256x1xf32> to vector<256x256xf32>
        %max3A_152 = vector.broadcast %get3A_33 : vector<1x256xf32> to vector<256x256xf32>
        %max3A_153 = arith.maximumf %max3A_151, %max3A_152 : vector<256x256xf32>
        %min3A_154 = vector.broadcast %get3A_142 : vector<256x1xf32> to vector<256x256xf32>
        %min3A_155 = vector.broadcast %get3A_36 : vector<1x256xf32> to vector<256x256xf32>
        %min3A_156 = arith.minimumf %min3A_154, %min3A_155 : vector<256x256xf32>
        %min3A_157 = vector.broadcast %get3A_147 : vector<256x1xf32> to vector<256x256xf32>
        %min3A_158 = vector.broadcast %get3A_39 : vector<1x256xf32> to vector<256x256xf32>
        %min3A_159 = arith.minimumf %min3A_157, %min3A_158 : vector<256x256xf32>
        %sub3A_160 = arith.subf %min3A_156, %max3A_150 : vector<256x256xf32>
        %max3A_161 = arith.constant 0.000000e+00 : f32
        %max3A_162 = vector.broadcast %max3A_161 : f32 to vector<256x256xf32>
        %max3A_163 = arith.maximumf %sub3A_160, %max3A_162 : vector<256x256xf32>
        %sub3A_164 = arith.subf %min3A_159, %max3A_153 : vector<256x256xf32>
        %max3A_165 = arith.constant 0.000000e+00 : f32
        %max3A_166 = vector.broadcast %max3A_165 : f32 to vector<256x256xf32>
        %max3A_167 = arith.maximumf %sub3A_164, %max3A_166 : vector<256x256xf32>
        %mul3A_168 = arith.mulf %max3A_163, %max3A_167 : vector<256x256xf32>
        %sub3A_169 = arith.subf %get3A_142, %get3A_132 : vector<256x1xf32>
        %sub3A_170 = arith.subf %get3A_147, %get3A_137 : vector<256x1xf32>
        %mul3A_171 = arith.mulf %sub3A_169, %sub3A_170 : vector<256x1xf32>
        %sub3A_172 = arith.subf %get3A_36, %get3A_30 : vector<1x256xf32>
        %sub3A_173 = arith.subf %get3A_39, %get3A_33 : vector<1x256xf32>
        %mul3A_174 = arith.mulf %sub3A_172, %sub3A_173 : vector<1x256xf32>
        %add3A_175 = vector.broadcast %mul3A_171 : vector<256x1xf32> to vector<256x256xf32>
        %add3A_176 = vector.broadcast %mul3A_174 : vector<1x256xf32> to vector<256x256xf32>
        %add3A_177 = arith.addf %add3A_175, %add3A_176 : vector<256x256xf32>
        %sub3A_178 = arith.subf %add3A_177, %mul3A_168 : vector<256x256xf32>
        %max3A_179 = arith.constant 9.99999971E-10 : f32
        %max3A_180 = vector.broadcast %max3A_179 : f32 to vector<256x256xf32>
        %max3A_181 = arith.maximumf %sub3A_178, %max3A_180 : vector<256x256xf32>
        %div3A_182 = arith.divf %mul3A_168, %max3A_181 : vector<256x256xf32>
        %gt3A_183 = arith.constant 5.000000e-01 : f32
        %gt3A_184 = vector.broadcast %gt3A_183 : f32 to vector<256x256xf32>
        %gt3A_185 = arith.cmpf ogt, %div3A_182, %gt3A_184 : vector<256x256xf32>
        %get3A_186 = arith.index_cast %while3A_126 : i32 to index
        %get3A_187 = arith.constant 0 : index
        %get3A_188 = vector.load %arg11[%get3A_186, %get3A_187] : memref<20x256xf32, #tpu.memory_space<vmem>>, vector<1x256xf32>
        %convert_element_type3A_189 = arith.extui %gt3A_185 : vector<256x256xi1> to vector<256x256xi32>
        %convert_element_type3A_190 = arith.sitofp %convert_element_type3A_189 : vector<256x256xi32> to vector<256x256xf32>
        %dot_general3A = arith.constant dense<0.000000e+00> : vector<1x256xf32>
        %dot_general3A_191 = tpu.matmul %get3A_188, %convert_element_type3A_190, %dot_general3A {dimension_numbers = #tpu.dot_dimension_numbers<[1], [0], [0], [1], [0, 0, 1, 1], [], []>, transpose_lhs_hint = false} : vector<1x256xf32>, vector<256x256xf32>, vector<1x256xf32> -> vector<1x256xf32>
        %gt3A_192 = arith.constant 0.000000e+00 : f32
        %gt3A_193 = vector.broadcast %gt3A_192 : f32 to vector<1x256xf32>
        %gt3A_194 = arith.cmpf ogt, %dot_general3A_191, %gt3A_193 : vector<1x256xf32>
        %jit3A_195 = arith.constant 0.000000e+00 : f32
        %broadcast_in_dim3A_196 = vector.broadcast %jit3A_195 : f32 to vector<1x256xf32>
        %select_n3A_197 = arith.select %gt3A_194, %broadcast_in_dim3A_196, %while3A_127 : vector<1x256xi1>, vector<1x256xf32>
        scf.yield %select_n3A_197 : vector<1x256xf32>
      }
      %mul3A = arith.constant 256 : i32
      %mul3A_58 = arith.muli %while3A_27, %mul3A : i32
      %get3A_59 = arith.index_cast %mul3A_58 : i32 to index
      %get3A_60 = arith.constant 0 : index
      %get3A_61 = vector.load %arg5[%get3A_59, %get3A_60] : memref<5120x1xf32, #tpu.memory_space<vmem>>, vector<256x1xf32>
      %mul3A_62 = arith.constant 256 : i32
      %mul3A_63 = arith.muli %while3A_27, %mul3A_62 : i32
      %get3A_64 = arith.index_cast %mul3A_63 : i32 to index
      %get3A_65 = arith.constant 0 : index
      %get3A_66 = vector.load %arg6[%get3A_64, %get3A_65] : memref<5120x1xf32, #tpu.memory_space<vmem>>, vector<256x1xf32>
      %mul3A_67 = arith.constant 256 : i32
      %mul3A_68 = arith.muli %while3A_27, %mul3A_67 : i32
      %get3A_69 = arith.index_cast %mul3A_68 : i32 to index
      %get3A_70 = arith.constant 0 : index
      %get3A_71 = vector.load %arg7[%get3A_69, %get3A_70] : memref<5120x1xf32, #tpu.memory_space<vmem>>, vector<256x1xf32>
      %mul3A_72 = arith.constant 256 : i32
      %mul3A_73 = arith.muli %while3A_27, %mul3A_72 : i32
      %get3A_74 = arith.index_cast %mul3A_73 : i32 to index
      %get3A_75 = arith.constant 0 : index
      %get3A_76 = vector.load %arg8[%get3A_74, %get3A_75] : memref<5120x1xf32, #tpu.memory_space<vmem>>, vector<256x1xf32>
      %max3A = vector.broadcast %get3A_61 : vector<256x1xf32> to vector<256x256xf32>
      %max3A_77 = vector.broadcast %get3A_30 : vector<1x256xf32> to vector<256x256xf32>
      %max3A_78 = arith.maximumf %max3A, %max3A_77 : vector<256x256xf32>
      %max3A_79 = vector.broadcast %get3A_66 : vector<256x1xf32> to vector<256x256xf32>
      %max3A_80 = vector.broadcast %get3A_33 : vector<1x256xf32> to vector<256x256xf32>
      %max3A_81 = arith.maximumf %max3A_79, %max3A_80 : vector<256x256xf32>
      %min3A_82 = vector.broadcast %get3A_71 : vector<256x1xf32> to vector<256x256xf32>
      %min3A_83 = vector.broadcast %get3A_36 : vector<1x256xf32> to vector<256x256xf32>
      %min3A_84 = arith.minimumf %min3A_82, %min3A_83 : vector<256x256xf32>
      %min3A_85 = vector.broadcast %get3A_76 : vector<256x1xf32> to vector<256x256xf32>
      %min3A_86 = vector.broadcast %get3A_39 : vector<1x256xf32> to vector<256x256xf32>
      %min3A_87 = arith.minimumf %min3A_85, %min3A_86 : vector<256x256xf32>
      %sub3A = arith.subf %min3A_84, %max3A_78 : vector<256x256xf32>
      %max3A_88 = arith.constant 0.000000e+00 : f32
      %max3A_89 = vector.broadcast %max3A_88 : f32 to vector<256x256xf32>
      %max3A_90 = arith.maximumf %sub3A, %max3A_89 : vector<256x256xf32>
      %sub3A_91 = arith.subf %min3A_87, %max3A_81 : vector<256x256xf32>
      %max3A_92 = arith.constant 0.000000e+00 : f32
      %max3A_93 = vector.broadcast %max3A_92 : f32 to vector<256x256xf32>
      %max3A_94 = arith.maximumf %sub3A_91, %max3A_93 : vector<256x256xf32>
      %mul3A_95 = arith.mulf %max3A_90, %max3A_94 : vector<256x256xf32>
      %sub3A_96 = arith.subf %get3A_71, %get3A_61 : vector<256x1xf32>
      %sub3A_97 = arith.subf %get3A_76, %get3A_66 : vector<256x1xf32>
      %mul3A_98 = arith.mulf %sub3A_96, %sub3A_97 : vector<256x1xf32>
      %sub3A_99 = arith.subf %get3A_36, %get3A_30 : vector<1x256xf32>
      %sub3A_100 = arith.subf %get3A_39, %get3A_33 : vector<1x256xf32>
      %mul3A_101 = arith.mulf %sub3A_99, %sub3A_100 : vector<1x256xf32>
      %add3A = vector.broadcast %mul3A_98 : vector<256x1xf32> to vector<256x256xf32>
      %add3A_102 = vector.broadcast %mul3A_101 : vector<1x256xf32> to vector<256x256xf32>
      %add3A_103 = arith.addf %add3A, %add3A_102 : vector<256x256xf32>
      %sub3A_104 = arith.subf %add3A_103, %mul3A_95 : vector<256x256xf32>
      %max3A_105 = arith.constant 9.99999971E-10 : f32
      %max3A_106 = vector.broadcast %max3A_105 : f32 to vector<256x256xf32>
      %max3A_107 = arith.maximumf %sub3A_104, %max3A_106 : vector<256x256xf32>
      %div3A = arith.divf %mul3A_95, %max3A_107 : vector<256x256xf32>
      %gt3A_108 = arith.constant 5.000000e-01 : f32
      %gt3A_109 = vector.broadcast %gt3A_108 : f32 to vector<256x256xf32>
      %gt3A_110 = arith.cmpf ogt, %div3A, %gt3A_109 : vector<256x256xf32>
      %convert_element_type3A_111 = arith.extui %gt3A_110 : vector<256x256xi1> to vector<256x256xi32>
      %convert_element_type3A_112 = arith.sitofp %convert_element_type3A_111 : vector<256x256xi32> to vector<256x256xf32>
      %jit3A = arith.constant 0.000000e+00 : f32
      %broadcast_in_dim3A_113 = vector.broadcast %jit3A : f32 to vector<256x256xf32>
      %select_n3A = arith.select %lt3A, %convert_element_type3A_112, %broadcast_in_dim3A_113 : vector<256x256xi1>, vector<256x256xf32>
      %while3A_114 = arith.constant true
      %while3A_115:2 = scf.while (%while3A_126 = %while3A_57, %while3A_127 = %while3A_114) : (vector<1x256xf32>, i1) -> (vector<1x256xf32>, i1) {
        scf.condition(%while3A_127) %while3A_126, %while3A_127 : vector<1x256xf32>, i1
      } do {
      ^bb0(%while3A_126: vector<1x256xf32>, %while3A_127: i1):
        %dot_general3A = arith.constant dense<0.000000e+00> : vector<1x256xf32>
        %dot_general3A_128 = tpu.matmul %while3A_126, %select_n3A, %dot_general3A {dimension_numbers = #tpu.dot_dimension_numbers<[1], [0], [0], [1], [0, 0, 1, 1], [], []>, transpose_lhs_hint = false} : vector<1x256xf32>, vector<256x256xf32>, vector<1x256xf32> -> vector<1x256xf32>
        %gt3A_129 = arith.constant 0.000000e+00 : f32
        %gt3A_130 = vector.broadcast %gt3A_129 : f32 to vector<1x256xf32>
        %gt3A_131 = arith.cmpf ogt, %dot_general3A_128, %gt3A_130 : vector<1x256xf32>
        %jit3A_132 = arith.constant 0.000000e+00 : f32
        %broadcast_in_dim3A_133 = vector.broadcast %jit3A_132 : f32 to vector<1x256xf32>
        %select_n3A_134 = arith.select %gt3A_131, %broadcast_in_dim3A_133, %while3A_57 : vector<1x256xi1>, vector<1x256xf32>
        %ne3A = arith.cmpf one, %select_n3A_134, %while3A_126 : vector<1x256xf32>
        %reduce_or3A = arith.constant 1.000000e+00 : f32
        %reduce_or3A_135 = arith.constant 0.000000e+00 : f32
        %reduce_or3A_136 = vector.broadcast %reduce_or3A : f32 to vector<1x256xf32>
        %reduce_or3A_137 = vector.broadcast %reduce_or3A_135 : f32 to vector<1x256xf32>
        %reduce_or3A_138 = arith.select %ne3A, %reduce_or3A_136, %reduce_or3A_137 : vector<1x256xi1>, vector<1x256xf32>
        %reduce_or3A_139 = vector.shape_cast %reduce_or3A_138 : vector<1x256xf32> to vector<1x1x256xf32>
        %reduce_or3A_140 = arith.constant dense<0xFF800000> : vector<1xf32>
        %reduce_or3A_141 = vector.multi_reduction <maximumf>, %reduce_or3A_139, %reduce_or3A_140 [1, 2] : vector<1x1x256xf32> to vector<1xf32>
        %reduce_or3A_142 = vector.shape_cast %reduce_or3A_141 : vector<1xf32> to vector<1x1x1xf32>
        %reduce_or3A_143 = vector.extract %reduce_or3A_142[0, 0, 0] : f32 from vector<1x1x1xf32>
        %reduce_or3A_144 = arith.constant 0.000000e+00 : f32
        %reduce_or3A_145 = arith.cmpf ogt, %reduce_or3A_143, %reduce_or3A_144 : f32
        scf.yield %select_n3A_134, %reduce_or3A_145 : vector<1x256xf32>, i1
      }
      %swap3A_116 = arith.index_cast %while3A_27 : i32 to index
      %swap3A_117 = arith.constant 0 : index
      %swap3A_118 = vector.load %arg11[%swap3A_116, %swap3A_117] : memref<20x256xf32, #tpu.memory_space<vmem>>, vector<1x256xf32>
      tpu.vector_store %arg11[%swap3A_116, %swap3A_117], %while3A_115#0 {strides = array<i32>} : memref<20x256xf32, #tpu.memory_space<vmem>>, vector<1x256xf32>,
      %add3A_119 = arith.constant 1 : i32
      %add3A_120 = arith.addi %while3A_27, %add3A_119 : i32
      %reduce_sum3A = vector.shape_cast %while3A_115#0 : vector<1x256xf32> to vector<1x1x256xf32>
      %reduce_sum3A_121 = arith.constant dense<0.000000e+00> : vector<1xf32>
      %reduce_sum3A_122 = vector.multi_reduction <add>, %reduce_sum3A, %reduce_sum3A_121 [1, 2] : vector<1x1x256xf32> to vector<1xf32>
      %reduce_sum3A_123 = vector.shape_cast %reduce_sum3A_122 : vector<1xf32> to vector<1x1x1xf32>
      %reduce_sum3A_124 = vector.extract %reduce_sum3A_123[0, 0, 0] : f32 from vector<1x1x1xf32>
      %add3A_125 = arith.addf %while3A_28, %reduce_sum3A_124 : f32
      scf.yield %add3A_120, %add3A_125 : i32, f32
    }
    %min3A = arith.constant 1.000000e+02 : f32
    %min3A_4 = arith.minimumf %while3A_3#1, %min3A : f32
    %iota3A_5 = tpu.iota {dimensions = array<i32: 0>} : vector<100x256xi32>
    %iota3A_6 = tpu.iota {dimensions = array<i32: 1>} : vector<1x256xi32>
    %broadcast_in_dim3A = arith.constant 1.000000e+00 : f32
    %broadcast_in_dim3A_7 = vector.broadcast %broadcast_in_dim3A : f32 to vector<256x1xf32>
    %broadcast_in_dim3A_8 = arith.constant 0.000000e+00 : f32
    %broadcast_in_dim3A_9 = vector.broadcast %broadcast_in_dim3A_8 : f32 to vector<100x4xf32>
    %broadcast_in_dim3A_10 = arith.constant 0.000000e+00 : f32
    %broadcast_in_dim3A_11 = vector.broadcast %broadcast_in_dim3A_10 : f32 to vector<100x1xf32>
    %while3A_12 = arith.constant 0 : i32
    %while3A_13 = arith.constant 0.000000e+00 : f32
    %while3A_14 = arith.constant 0.000000e+00 : f32
    %while3A_15 = arith.subi %while3A_3#0, %while3A_12 : i32
    %while3A_16 = arith.addi %while3A_12, %while3A_15 : i32
    %while3A_17 = arith.constant 1 : i32
    %while3A_18 = arith.divsi %while3A_15, %while3A_17 : i32
    %while3A_19 = arith.muli %while3A_18, %while3A_17 : i32
    %while3A_20 = arith.addi %while3A_12, %while3A_19 : i32
    %while3A_21 = arith.constant 1 : i32
    %while3A_22:4 = scf.for %while3A_27 = %while3A_12 to %while3A_20 step %while3A_21 iter_args(%while3A_28 = %while3A_13, %while3A_29 = %while3A_14, %while3A_30 = %broadcast_in_dim3A_9, %while3A_31 = %broadcast_in_dim3A_11) -> (f32, f32, vector<100x4xf32>, vector<100x1xf32>)  : i32 {
      %get3A = arith.index_cast %while3A_27 : i32 to index
      %get3A_32 = arith.constant 0 : index
      %get3A_33 = vector.load %arg11[%get3A, %get3A_32] : memref<20x256xf32, #tpu.memory_space<vmem>>, vector<1x256xf32>
      %mul3A = arith.constant 256 : i32
      %mul3A_34 = arith.muli %while3A_27, %mul3A : i32
      %add3A = vector.broadcast %mul3A_34 : i32 to vector<1x256xi32>
      %add3A_35 = arith.addi %add3A, %iota3A_6 : vector<1x256xi32>
      %lt3A_36 = arith.constant 5000 : i32
      %lt3A_37 = vector.broadcast %lt3A_36 : i32 to vector<1x256xi32>
      %lt3A_38 = arith.cmpi slt, %add3A_35, %lt3A_37 : vector<1x256xi32>
      %convert_element_type3A_39 = arith.extui %lt3A_38 : vector<1x256xi1> to vector<1x256xi32>
      %convert_element_type3A_40 = arith.sitofp %convert_element_type3A_39 : vector<1x256xi32> to vector<1x256xf32>
      %sub3A = arith.constant 1.000000e+00 : f32
      %sub3A_41 = vector.broadcast %sub3A : f32 to vector<1x256xf32>
      %sub3A_42 = arith.subf %sub3A_41, %get3A_33 : vector<1x256xf32>
      %mul3A_43 = arith.mulf %sub3A_42, %convert_element_type3A_40 : vector<1x256xf32>
      %dot_general3A = arith.constant dense<0.000000e+00> : vector<1x256xf32>
      %dot_general3A_44 = tpu.matmul %get3A_33, %convert_element_type3A_1, %dot_general3A {dimension_numbers = #tpu.dot_dimension_numbers<[1], [0], [0], [1], [0, 0, 1, 1], [], []>, transpose_lhs_hint = false} : vector<1x256xf32>, vector<256x256xf32>, vector<1x256xf32> -> vector<1x256xf32>
      %dot_general3A_45 = arith.constant dense<0.000000e+00> : vector<1x256xf32>
      %dot_general3A_46 = tpu.matmul %mul3A_43, %convert_element_type3A_1, %dot_general3A_45 {dimension_numbers = #tpu.dot_dimension_numbers<[1], [0], [0], [1], [0, 0, 1, 1], [], []>, transpose_lhs_hint = false} : vector<1x256xf32>, vector<256x256xf32>, vector<1x256xf32> -> vector<1x256xf32>
      %gt3A = arith.constant 0.000000e+00 : f32
      %gt3A_47 = vector.broadcast %gt3A : f32 to vector<1x256xf32>
      %gt3A_48 = arith.cmpf ogt, %get3A_33, %gt3A_47 : vector<1x256xf32>
      %add3A_49 = vector.broadcast %while3A_28 : f32 to vector<1x256xf32>
      %add3A_50 = arith.addf %add3A_49, %dot_general3A_44 : vector<1x256xf32>
      %add3A_51 = arith.addf %min3A_4, %while3A_29 : f32
      %add3A_52 = vector.broadcast %add3A_51 : f32 to vector<1x256xf32>
      %add3A_53 = arith.addf %add3A_52, %dot_general3A_46 : vector<1x256xf32>
      %select_n3A = arith.select %gt3A_48, %add3A_50, %add3A_53 : vector<1x256xi1>, vector<1x256xf32>
      %gt3A_54 = arith.constant 0.000000e+00 : f32
      %gt3A_55 = vector.broadcast %gt3A_54 : f32 to vector<1x256xf32>
      %gt3A_56 = arith.cmpf ogt, %get3A_33, %gt3A_55 : vector<1x256xf32>
      %gt3A_57 = arith.constant 0.000000e+00 : f32
      %gt3A_58 = vector.broadcast %gt3A_57 : f32 to vector<1x256xf32>
      %gt3A_59 = arith.cmpf ogt, %mul3A_43, %gt3A_58 : vector<1x256xf32>
      %or3A = arith.ori %gt3A_56, %gt3A_59 : vector<1x256xi1>
      %lt3A_60 = arith.constant 1.000000e+02 : f32
      %lt3A_61 = vector.broadcast %lt3A_60 : f32 to vector<1x256xf32>
      %lt3A_62 = arith.cmpf olt, %select_n3A, %lt3A_61 : vector<1x256xf32>
      %and3A = arith.andi %or3A, %lt3A_62 : vector<1x256xi1>
      %convert_element_type3A_63 = arith.fptosi %select_n3A : vector<1x256xf32> to vector<1x256xi32>
      %eq3A = vector.broadcast %convert_element_type3A_63 : vector<1x256xi32> to vector<100x256xi32>
      %eq3A_64 = arith.cmpi eq, %iota3A_5, %eq3A : vector<100x256xi32>
      %and3A_65 = vector.broadcast %and3A : vector<1x256xi1> to vector<100x256xi1>
      %and3A_66 = arith.andi %and3A_65, %eq3A_64 : vector<100x256xi1>
      %jit3A = arith.constant 1.000000e+00 : f32
      %jit3A_67 = arith.constant 0.000000e+00 : f32
      %broadcast_in_dim3A_68 = vector.broadcast %jit3A : f32 to vector<100x256xf32>
      %broadcast_in_dim3A_69 = vector.broadcast %jit3A_67 : f32 to vector<100x256xf32>
      %select_n3A_70 = arith.select %and3A_66, %broadcast_in_dim3A_68, %broadcast_in_dim3A_69 : vector<100x256xi1>, vector<100x256xf32>
      %mul3A_71 = vector.broadcast %get3A_33 : vector<1x256xf32> to vector<100x256xf32>
      %mul3A_72 = arith.mulf %select_n3A_70, %mul3A_71 : vector<100x256xf32>
      %mul3A_73 = vector.broadcast %mul3A_43 : vector<1x256xf32> to vector<100x256xf32>
      %mul3A_74 = arith.mulf %select_n3A_70, %mul3A_73 : vector<100x256xf32>
      %mul3A_75 = arith.constant 256 : i32
      %mul3A_76 = arith.muli %while3A_27, %mul3A_75 : i32
      %get3A_77 = arith.index_cast %mul3A_76 : i32 to index
      %get3A_78 = arith.constant 0 : index
      %get3A_79 = vector.load %arg5[%get3A_77, %get3A_78] : memref<5120x1xf32, #tpu.memory_space<vmem>>, vector<256x1xf32>
      %mul3A_80 = arith.constant 256 : i32
      %mul3A_81 = arith.muli %while3A_27, %mul3A_80 : i32
      %get3A_82 = arith.index_cast %mul3A_81 : i32 to index
      %get3A_83 = arith.constant 0 : index
      %get3A_84 = vector.load %arg6[%get3A_82, %get3A_83] : memref<5120x1xf32, #tpu.memory_space<vmem>>, vector<256x1xf32>
      %mul3A_85 = arith.constant 256 : i32
      %mul3A_86 = arith.muli %while3A_27, %mul3A_85 : i32
      %get3A_87 = arith.index_cast %mul3A_86 : i32 to index
      %get3A_88 = arith.constant 0 : index
      %get3A_89 = vector.load %arg7[%get3A_87, %get3A_88] : memref<5120x1xf32, #tpu.memory_space<vmem>>, vector<256x1xf32>
      %mul3A_90 = arith.constant 256 : i32
      %mul3A_91 = arith.muli %while3A_27, %mul3A_90 : i32
      %get3A_92 = arith.index_cast %mul3A_91 : i32 to index
      %get3A_93 = arith.constant 0 : index
      %get3A_94 = vector.load %arg8[%get3A_92, %get3A_93] : memref<5120x1xf32, #tpu.memory_space<vmem>>, vector<256x1xf32>
      %concatenate3A_95 = tpu.concatenate %get3A_79, %get3A_84, %get3A_89, %get3A_94 in 1 : vector<256x1xf32>, vector<256x1xf32>, vector<256x1xf32>, vector<256x1xf32> -> vector<256x4xf32>
      %dot_general3A_96 = arith.constant dense<0.000000e+00> : vector<100x4xf32>
      %dot_general3A_97 = tpu.matmul %select_n3A_70, %concatenate3A_95, %dot_general3A_96 {dimension_numbers = #tpu.dot_dimension_numbers<[1], [0], [0], [1], [0, 0, 1, 1], [], []>, transpose_lhs_hint = false} : vector<100x256xf32>, vector<256x4xf32>, vector<100x4xf32> -> vector<100x4xf32>
      %add3A_98 = arith.addf %while3A_30, %dot_general3A_97 : vector<100x4xf32>
      %mul3A_99 = arith.constant 256 : i32
      %mul3A_100 = arith.muli %while3A_27, %mul3A_99 : i32
      %get3A_101 = arith.index_cast %mul3A_100 : i32 to index
      %get3A_102 = arith.constant 0 : index
      %get3A_103 = vector.load %arg9[%get3A_101, %get3A_102] : memref<5120x1xf32, #tpu.memory_space<vmem>>, vector<256x1xf32>
      %dot_general3A_104 = arith.constant dense<0.000000e+00> : vector<100x1xf32>
      %dot_general3A_105 = tpu.matmul %mul3A_72, %get3A_103, %dot_general3A_104 {dimension_numbers = #tpu.dot_dimension_numbers<[1], [0], [0], [1], [0, 0, 1, 1], [], []>, transpose_lhs_hint = false} : vector<100x256xf32>, vector<256x1xf32>, vector<100x1xf32> -> vector<100x1xf32>
      %dot_general3A_106 = arith.constant dense<0.000000e+00> : vector<100x1xf32>
      %dot_general3A_107 = tpu.matmul %mul3A_74, %broadcast_in_dim3A_7, %dot_general3A_106 {dimension_numbers = #tpu.dot_dimension_numbers<[1], [0], [0], [1], [0, 0, 1, 1], [], []>, transpose_lhs_hint = false} : vector<100x256xf32>, vector<256x1xf32>, vector<100x1xf32> -> vector<100x1xf32>
      %sub3A_108 = arith.subf %dot_general3A_105, %dot_general3A_107 : vector<100x1xf32>
      %add3A_109 = arith.addf %while3A_31, %sub3A_108 : vector<100x1xf32>
      %reduce_sum3A = vector.shape_cast %get3A_33 : vector<1x256xf32> to vector<1x1x256xf32>
      %reduce_sum3A_110 = arith.constant dense<0.000000e+00> : vector<1xf32>
      %reduce_sum3A_111 = vector.multi_reduction <add>, %reduce_sum3A, %reduce_sum3A_110 [1, 2] : vector<1x1x256xf32> to vector<1xf32>
      %reduce_sum3A_112 = vector.shape_cast %reduce_sum3A_111 : vector<1xf32> to vector<1x1x1xf32>
      %reduce_sum3A_113 = vector.extract %reduce_sum3A_112[0, 0, 0] : f32 from vector<1x1x1xf32>
      %add3A_114 = arith.addf %while3A_28, %reduce_sum3A_113 : f32
      %reduce_sum3A_115 = vector.shape_cast %mul3A_43 : vector<1x256xf32> to vector<1x1x256xf32>
      %reduce_sum3A_116 = arith.constant dense<0.000000e+00> : vector<1xf32>
      %reduce_sum3A_117 = vector.multi_reduction <add>, %reduce_sum3A_115, %reduce_sum3A_116 [1, 2] : vector<1x1x256xf32> to vector<1xf32>
      %reduce_sum3A_118 = vector.shape_cast %reduce_sum3A_117 : vector<1xf32> to vector<1x1x1xf32>
      %reduce_sum3A_119 = vector.extract %reduce_sum3A_118[0, 0, 0] : f32 from vector<1x1x1xf32>
      %add3A_120 = arith.addf %while3A_29, %reduce_sum3A_119 : f32
      scf.yield %add3A_114, %add3A_120, %add3A_98, %add3A_109 : f32, f32, vector<100x4xf32>, vector<100x1xf32>
    }
    %while3A_23 = arith.constant 1 : i32
    %while3A_24:4 = scf.for %while3A_27 = %while3A_20 to %while3A_16 step %while3A_23 iter_args(%while3A_28 = %while3A_22#0, %while3A_29 = %while3A_22#1, %while3A_30 = %while3A_22#2, %while3A_31 = %while3A_22#3) -> (f32, f32, vector<100x4xf32>, vector<100x1xf32>)  : i32 {
      %get3A = arith.index_cast %while3A_27 : i32 to index
      %get3A_32 = arith.constant 0 : index
      %get3A_33 = vector.load %arg11[%get3A, %get3A_32] : memref<20x256xf32, #tpu.memory_space<vmem>>, vector<1x256xf32>
      %mul3A = arith.constant 256 : i32
      %mul3A_34 = arith.muli %while3A_27, %mul3A : i32
      %add3A = vector.broadcast %mul3A_34 : i32 to vector<1x256xi32>
      %add3A_35 = arith.addi %add3A, %iota3A_6 : vector<1x256xi32>
      %lt3A_36 = arith.constant 5000 : i32
      %lt3A_37 = vector.broadcast %lt3A_36 : i32 to vector<1x256xi32>
      %lt3A_38 = arith.cmpi slt, %add3A_35, %lt3A_37 : vector<1x256xi32>
      %convert_element_type3A_39 = arith.extui %lt3A_38 : vector<1x256xi1> to vector<1x256xi32>
      %convert_element_type3A_40 = arith.sitofp %convert_element_type3A_39 : vector<1x256xi32> to vector<1x256xf32>
      %sub3A = arith.constant 1.000000e+00 : f32
      %sub3A_41 = vector.broadcast %sub3A : f32 to vector<1x256xf32>
      %sub3A_42 = arith.subf %sub3A_41, %get3A_33 : vector<1x256xf32>
      %mul3A_43 = arith.mulf %sub3A_42, %convert_element_type3A_40 : vector<1x256xf32>
      %dot_general3A = arith.constant dense<0.000000e+00> : vector<1x256xf32>
      %dot_general3A_44 = tpu.matmul %get3A_33, %convert_element_type3A_1, %dot_general3A {dimension_numbers = #tpu.dot_dimension_numbers<[1], [0], [0], [1], [0, 0, 1, 1], [], []>, transpose_lhs_hint = false} : vector<1x256xf32>, vector<256x256xf32>, vector<1x256xf32> -> vector<1x256xf32>
      %dot_general3A_45 = arith.constant dense<0.000000e+00> : vector<1x256xf32>
      %dot_general3A_46 = tpu.matmul %mul3A_43, %convert_element_type3A_1, %dot_general3A_45 {dimension_numbers = #tpu.dot_dimension_numbers<[1], [0], [0], [1], [0, 0, 1, 1], [], []>, transpose_lhs_hint = false} : vector<1x256xf32>, vector<256x256xf32>, vector<1x256xf32> -> vector<1x256xf32>
      %gt3A = arith.constant 0.000000e+00 : f32
      %gt3A_47 = vector.broadcast %gt3A : f32 to vector<1x256xf32>
      %gt3A_48 = arith.cmpf ogt, %get3A_33, %gt3A_47 : vector<1x256xf32>
      %add3A_49 = vector.broadcast %while3A_28 : f32 to vector<1x256xf32>
      %add3A_50 = arith.addf %add3A_49, %dot_general3A_44 : vector<1x256xf32>
      %add3A_51 = arith.addf %min3A_4, %while3A_29 : f32
      %add3A_52 = vector.broadcast %add3A_51 : f32 to vector<1x256xf32>
      %add3A_53 = arith.addf %add3A_52, %dot_general3A_46 : vector<1x256xf32>
      %select_n3A = arith.select %gt3A_48, %add3A_50, %add3A_53 : vector<1x256xi1>, vector<1x256xf32>
      %gt3A_54 = arith.constant 0.000000e+00 : f32
      %gt3A_55 = vector.broadcast %gt3A_54 : f32 to vector<1x256xf32>
      %gt3A_56 = arith.cmpf ogt, %get3A_33, %gt3A_55 : vector<1x256xf32>
      %gt3A_57 = arith.constant 0.000000e+00 : f32
      %gt3A_58 = vector.broadcast %gt3A_57 : f32 to vector<1x256xf32>
      %gt3A_59 = arith.cmpf ogt, %mul3A_43, %gt3A_58 : vector<1x256xf32>
      %or3A = arith.ori %gt3A_56, %gt3A_59 : vector<1x256xi1>
      %lt3A_60 = arith.constant 1.000000e+02 : f32
      %lt3A_61 = vector.broadcast %lt3A_60 : f32 to vector<1x256xf32>
      %lt3A_62 = arith.cmpf olt, %select_n3A, %lt3A_61 : vector<1x256xf32>
      %and3A = arith.andi %or3A, %lt3A_62 : vector<1x256xi1>
      %convert_element_type3A_63 = arith.fptosi %select_n3A : vector<1x256xf32> to vector<1x256xi32>
      %eq3A = vector.broadcast %convert_element_type3A_63 : vector<1x256xi32> to vector<100x256xi32>
      %eq3A_64 = arith.cmpi eq, %iota3A_5, %eq3A : vector<100x256xi32>
      %and3A_65 = vector.broadcast %and3A : vector<1x256xi1> to vector<100x256xi1>
      %and3A_66 = arith.andi %and3A_65, %eq3A_64 : vector<100x256xi1>
      %jit3A = arith.constant 1.000000e+00 : f32
      %jit3A_67 = arith.constant 0.000000e+00 : f32
      %broadcast_in_dim3A_68 = vector.broadcast %jit3A : f32 to vector<100x256xf32>
      %broadcast_in_dim3A_69 = vector.broadcast %jit3A_67 : f32 to vector<100x256xf32>
      %select_n3A_70 = arith.select %and3A_66, %broadcast_in_dim3A_68, %broadcast_in_dim3A_69 : vector<100x256xi1>, vector<100x256xf32>
      %mul3A_71 = vector.broadcast %get3A_33 : vector<1x256xf32> to vector<100x256xf32>
      %mul3A_72 = arith.mulf %select_n3A_70, %mul3A_71 : vector<100x256xf32>
      %mul3A_73 = vector.broadcast %mul3A_43 : vector<1x256xf32> to vector<100x256xf32>
      %mul3A_74 = arith.mulf %select_n3A_70, %mul3A_73 : vector<100x256xf32>
      %mul3A_75 = arith.constant 256 : i32
      %mul3A_76 = arith.muli %while3A_27, %mul3A_75 : i32
      %get3A_77 = arith.index_cast %mul3A_76 : i32 to index
      %get3A_78 = arith.constant 0 : index
      %get3A_79 = vector.load %arg5[%get3A_77, %get3A_78] : memref<5120x1xf32, #tpu.memory_space<vmem>>, vector<256x1xf32>
      %mul3A_80 = arith.constant 256 : i32
      %mul3A_81 = arith.muli %while3A_27, %mul3A_80 : i32
      %get3A_82 = arith.index_cast %mul3A_81 : i32 to index
      %get3A_83 = arith.constant 0 : index
      %get3A_84 = vector.load %arg6[%get3A_82, %get3A_83] : memref<5120x1xf32, #tpu.memory_space<vmem>>, vector<256x1xf32>
      %mul3A_85 = arith.constant 256 : i32
      %mul3A_86 = arith.muli %while3A_27, %mul3A_85 : i32
      %get3A_87 = arith.index_cast %mul3A_86 : i32 to index
      %get3A_88 = arith.constant 0 : index
      %get3A_89 = vector.load %arg7[%get3A_87, %get3A_88] : memref<5120x1xf32, #tpu.memory_space<vmem>>, vector<256x1xf32>
      %mul3A_90 = arith.constant 256 : i32
      %mul3A_91 = arith.muli %while3A_27, %mul3A_90 : i32
      %get3A_92 = arith.index_cast %mul3A_91 : i32 to index
      %get3A_93 = arith.constant 0 : index
      %get3A_94 = vector.load %arg8[%get3A_92, %get3A_93] : memref<5120x1xf32, #tpu.memory_space<vmem>>, vector<256x1xf32>
      %concatenate3A_95 = tpu.concatenate %get3A_79, %get3A_84, %get3A_89, %get3A_94 in 1 : vector<256x1xf32>, vector<256x1xf32>, vector<256x1xf32>, vector<256x1xf32> -> vector<256x4xf32>
      %dot_general3A_96 = arith.constant dense<0.000000e+00> : vector<100x4xf32>
      %dot_general3A_97 = tpu.matmul %select_n3A_70, %concatenate3A_95, %dot_general3A_96 {dimension_numbers = #tpu.dot_dimension_numbers<[1], [0], [0], [1], [0, 0, 1, 1], [], []>, transpose_lhs_hint = false} : vector<100x256xf32>, vector<256x4xf32>, vector<100x4xf32> -> vector<100x4xf32>
      %add3A_98 = arith.addf %while3A_30, %dot_general3A_97 : vector<100x4xf32>
      %mul3A_99 = arith.constant 256 : i32
      %mul3A_100 = arith.muli %while3A_27, %mul3A_99 : i32
      %get3A_101 = arith.index_cast %mul3A_100 : i32 to index
      %get3A_102 = arith.constant 0 : index
      %get3A_103 = vector.load %arg9[%get3A_101, %get3A_102] : memref<5120x1xf32, #tpu.memory_space<vmem>>, vector<256x1xf32>
      %dot_general3A_104 = arith.constant dense<0.000000e+00> : vector<100x1xf32>
      %dot_general3A_105 = tpu.matmul %mul3A_72, %get3A_103, %dot_general3A_104 {dimension_numbers = #tpu.dot_dimension_numbers<[1], [0], [0], [1], [0, 0, 1, 1], [], []>, transpose_lhs_hint = false} : vector<100x256xf32>, vector<256x1xf32>, vector<100x1xf32> -> vector<100x1xf32>
      %dot_general3A_106 = arith.constant dense<0.000000e+00> : vector<100x1xf32>
      %dot_general3A_107 = tpu.matmul %mul3A_74, %broadcast_in_dim3A_7, %dot_general3A_106 {dimension_numbers = #tpu.dot_dimension_numbers<[1], [0], [0], [1], [0, 0, 1, 1], [], []>, transpose_lhs_hint = false} : vector<100x256xf32>, vector<256x1xf32>, vector<100x1xf32> -> vector<100x1xf32>
      %sub3A_108 = arith.subf %dot_general3A_105, %dot_general3A_107 : vector<100x1xf32>
      %add3A_109 = arith.addf %while3A_31, %sub3A_108 : vector<100x1xf32>
      %reduce_sum3A = vector.shape_cast %get3A_33 : vector<1x256xf32> to vector<1x1x256xf32>
      %reduce_sum3A_110 = arith.constant dense<0.000000e+00> : vector<1xf32>
      %reduce_sum3A_111 = vector.multi_reduction <add>, %reduce_sum3A, %reduce_sum3A_110 [1, 2] : vector<1x1x256xf32> to vector<1xf32>
      %reduce_sum3A_112 = vector.shape_cast %reduce_sum3A_111 : vector<1xf32> to vector<1x1x1xf32>
      %reduce_sum3A_113 = vector.extract %reduce_sum3A_112[0, 0, 0] : f32 from vector<1x1x1xf32>
      %add3A_114 = arith.addf %while3A_28, %reduce_sum3A_113 : f32
      %reduce_sum3A_115 = vector.shape_cast %mul3A_43 : vector<1x256xf32> to vector<1x1x256xf32>
      %reduce_sum3A_116 = arith.constant dense<0.000000e+00> : vector<1xf32>
      %reduce_sum3A_117 = vector.multi_reduction <add>, %reduce_sum3A_115, %reduce_sum3A_116 [1, 2] : vector<1x1x256xf32> to vector<1xf32>
      %reduce_sum3A_118 = vector.shape_cast %reduce_sum3A_117 : vector<1xf32> to vector<1x1x1xf32>
      %reduce_sum3A_119 = vector.extract %reduce_sum3A_118[0, 0, 0] : f32 from vector<1x1x1xf32>
      %add3A_120 = arith.addf %while3A_29, %reduce_sum3A_119 : f32
      scf.yield %add3A_114, %add3A_120, %add3A_98, %add3A_109 : f32, f32, vector<100x4xf32>, vector<100x1xf32>
    }
    %concatenate3A = tpu.concatenate %while3A_24#2, %while3A_24#3 in 1 : vector<100x4xf32>, vector<100x1xf32> -> vector<100x5xf32>
    %swap3A = arith.constant 0 : index
    %swap3A_25 = arith.constant 0 : index
    %swap3A_26 = vector.load %arg10[%swap3A, %swap3A_25] : memref<100x5xf32, #tpu.memory_space<vmem>>, vector<100x5xf32>
    tpu.vector_store %arg10[%swap3A, %swap3A_25], %concatenate3A {strides = array<i32>} : memref<100x5xf32, #tpu.memory_space<vmem>>, vector<100x5xf32>,
    return
  }
}

</mosaic_0001>

<sc_bundles>
// kernel: gather_offload_async_start.1
scs
__scs_entry_jumppad:
0x0: {  	(pc) =	sbr.rel $0x88, $3  }
0x1: {  	(tag) =	ssettag $0x0;
	lr =	simm.s32 $0x1  }
0x2: {  	[smem:$0x3F9F] =	sst lr;
	_ =	strace $0xD0000000  }
0x3: {  	_ = 	snop  }
0x4: {  	_ = 	snop  }
0x5: {  	_ = 	snop  }
0x6: {  	_ = 	snop  }
0x7: {  	_ = 	snop  }
__scs_overlays_trampoline_lowered:
0x8: {  	[smem:$0x3FAE] =	sst s0  }
0x9: {  	[smem:$0x3FAF] =	sst s1  }
0xa: {  	[smem:$0x3FB0] =	sst s2  }
0xb: {  	[smem:$0x3FB1] =	sst s3  }
0xc: {  	[smem:$0x3FB2] =	sst s4  }
0xd: {  	[smem:$0x3FB3] =	sst s5  }
0xe: {  	[smem:$0x3FB4] =	sst s6  }
0xf: {  	[smem:$0x3FB5] =	sst s7  }
0x10: {  	[smem:$0x3FB6] =	sst s8  }
0x11: {  	[smem:$0x3FB7] =	sst s9;
	s0 =	simm.s32 @!p0 $0x0  }
0x12: {  	s1 =	sld [smem:$0x3F9D];
	s0 =	simm.s32 @p0 $0x1  }
0x13: {  	[smem:$0x3FB8] =	sst s0;
	s0 =	simm.s32 @!p1 $0x0  }
0x14: {  	s2 =	sld [smem:$0x3F9C];
	s0 =	simm.s32 @p1 $0x1  }
0x15: {  	[smem:$0x3FB9] =	sst s0;
	s0 =	simm.s32 @!p2 $0x0  }
0x16: {  	s3 =	sld [smem:$0x3FDB];
	s0 =	simm.s32 @p2 $0x1  }
0x17: {  	s4 =	simm.s32 $0x1BF5;
	[smem:$0x3FBB] =	sst s0  }
0x18: {  	s0 =	sld [smem:$0x3F9E];
	_ =	swait.ge [sflag:s4], $0x0  }
0x19: {  	s7 =	sld [smem:$0x3F9F]  }
0x1a: {  	s8 =	sadd.s32 $0xFFFFE003, lr  }
0x1b: {  	s9 =	sadd.s32 $0xFFFFFEF7, lr;
	s5 =	simm.s32 $0xFFFFFFFF;
	p2 =	slt.u32 s8, $0xFFFFF086  }
0x1c: {  	p1 =	slt.u32 s9, $0xF7A;
	s5 =	simm.s32 @!p2 $0x0  }
0x1d: {  	s5 =	simm.s32 @p1 $0x1;
	p0 =	seq.s32 s7, s2  }
0x1e: {  	s7 =	smul.u32 @!p0 $0xF7A, s2;
	p2 =	seq.s32 @!p0 s5, $0x0  }
0x1f: {  	s9 =	smul.u32 $0xF7A, s1;
	s8 =	simm.s32 @!p0 $0x1BF5;
	p2 =	por !p2, p0  }
0x20: {  	[sflag:s8] =	ssyncset.s32 @!p0 $0xFFFFF086;
	s6 =	sadd.s32 @!p0 s3, s7;
	s7 =	simm.s32 @!p0 $0x108  }
0x21: {  	s3 =	sadd.s32 s3, s9;
	s6 =	sadd.s32 @!p0 $0x88, s6;
	s7 =	simm.s32 @p2 $0x1082  }
0x22: {  	[simem:s7], [sflag:s8] =	dma.local @!p0 [hbm:s6], $0xF7A  }
0x23: {  	s9 =	sor.u32 $0xD0000000, s2;
	s6 =	simm.s32 $0x108;
	_ =	swait.ge @!p0 [sflag:s8], $0x0  }
0x24: {  	s3 =	sadd.s32 $0x88, s3;
	s6 =	simm.s32 @!p1 $0x1082;
	[sflag:s4] =	ssyncset.s32 $0xFFFFF086  }
0x25: {  	[simem:s6], [sflag:s4] =	dma.local [hbm:s3], $0xF7A  }
0x26: {  	[smem:$0x3F9F] =	sst s1;
	(tag) =	ssettag s2;
	_ =	strace s9  }
0x27: {  	s1 =	sld [smem:$0x3FAF]  }
0x28: {  	s2 =	sld [smem:$0x3FB0]  }
0x29: {  	s4 =	sld [smem:$0x3FB2]  }
0x2a: {  	p0 =	seq.s32 s5, $0x0;
	s5 =	sld [smem:$0x3FB3]  }
0x2b: {  	s6 =	sld [smem:$0x3FB4]  }
0x2c: {  	s7 =	sld [smem:$0x3FB5]  }
0x2d: {  	s3 =	simm.s32 $0x108;
	s8 =	sld [smem:$0x3FB6]  }
0x2e: {  	s3 =	simm.s32 @!p0 $0x1082;
	s9 =	sld [smem:$0x3FB7]  }
0x2f: {  	lr =	sadd.s32 s0, s3;
	s0 =	sld [smem:$0x3FAE]  }
0x30: {  	s3 =	sld [smem:$0x3FB1]  }
0x31: {  	[smem:$0x3FBA] =	sst s10  }
0x32: {  	s10 =	sld [smem:$0x3FB8];
	_ =	sdelay $0x3  }
0x33: {  	p0 =	seq.s32 s10, $0x1;
	s10 =	sld [smem:$0x3FBA];
	_ =	sdelay $0x3  }
0x34: {  	[smem:$0x3FBA] =	sst s10  }
0x35: {  	s10 =	sld [smem:$0x3FB9];
	_ =	sdelay $0x3  }
0x36: {  	p1 =	seq.s32 s10, $0x1;
	s10 =	sld [smem:$0x3FBA];
	_ =	sdelay $0x3  }
0x37: {  	[smem:$0x3FBA] =	sst s10  }
0x38: {  	s10 =	sld [smem:$0x3FBB]  }
0x39: {  	_ = 	snop;
	(pc) =	sbr.ind lr, $3  }
0x3a: {  	_ = 	snop  }
0x3b: {  	_ = 	snop  }
0x3c: {  	p2 =	seq.s32 s10, $0x1;
	s10 =	sld [smem:$0x3FBA]  }
0x3d: {  	_ =	shalt  }
0x3e: {  	_ =	shalt  }
0x3f: {  	_ =	shalt  }
0x40: {  	_ =	shalt  }
0x41: {  	_ =	shalt  }
0x42: {  	_ =	shalt  }
0x43: {  	_ =	shalt  }
0x44: {  	_ =	shalt  }
0x45: {  	_ =	shalt  }
0x46: {  	_ =	shalt  }
0x47: {  	_ =	shalt  }
0x48: {  	_ =	shalt  }
0x49: {  	_ =	shalt  }
0x4a: {  	_ =	shalt  }
0x4b: {  	_ =	shalt  }
0x4c: {  	_ =	shalt  }
0x4d: {  	_ =	shalt  }
0x4e: {  	_ =	shalt  }
0x4f: {  	_ =	shalt  }
0x50: {  	_ =	shalt  }
0x51: {  	_ =	shalt  }
0x52: {  	_ =	shalt  }
0x53: {  	_ =	shalt  }
0x54: {  	_ =	shalt  }
0x55: {  	_ =	shalt  }
0x56: {  	_ =	shalt  }
0x57: {  	_ =	shalt  }
0x58: {  	_ =	shalt  }
0x59: {  	_ =	shalt  }
0x5a: {  	_ =	shalt  }
0x5b: {  	_ =	shalt  }
0x5c: {  	_ =	shalt  }
0x5d: {  	_ =	shalt  }
0x5e: {  	_ =	shalt  }
0x5f: {  	_ =	shalt  }
0x60: {  	_ =	shalt  }
0x61: {  	_ =	shalt  }
0x62: {  	_ =	shalt  }
0x63: {  	_ =	shalt  }
0x64: {  	_ =	shalt  }
0x65: {  	_ =	shalt  }
0x66: {  	_ =	shalt  }
0x67: {  	_ =	shalt  }
0x68: {  	_ =	shalt  }
0x69: {  	_ =	shalt  }
0x6a: {  	_ =	shalt  }
0x6b: {  	_ =	shalt  }
0x6c: {  	_ =	shalt  }
0x6d: {  	_ =	shalt  }
0x6e: {  	_ =	shalt  }
0x6f: {  	_ =	shalt  }
0x70: {  	_ =	shalt  }
0x71: {  	_ =	shalt  }
0x72: {  	_ =	shalt  }
0x73: {  	_ =	shalt  }
0x74: {  	_ =	shalt  }
0x75: {  	_ =	shalt  }
0x76: {  	_ =	shalt  }
0x77: {  	_ =	shalt  }
0x78: {  	_ =	shalt  }
0x79: {  	_ =	shalt  }
0x7a: {  	_ =	shalt  }
0x7b: {  	_ =	shalt  }
0x7c: {  	_ =	shalt  }
0x7d: {  	_ =	shalt  }
0x7e: {  	_ =	shalt  }
0x7f: {  	_ =	shalt  }
0x80: {  	_ =	shalt  }
0x81: {  	_ =	shalt  }
0x82: {  	_ =	shalt  }
0x83: {  	_ =	shalt  }
0x84: {  	_ =	shalt  }
0x85: {  	_ =	shalt  }
0x86: {  	_ =	shalt  }
0x87: {  	_ =	shalt  }
.Lfunc_end0:
.L_simem_size_0:
called_computation.1_lowered:
.L_overlay_start_0:
0x88: {  	s0 =	sld [smem:$0x3FD9]  }
0x89: {  	s1 =	sld [smem:$0x3FFE];
	_ =	sdelay $0x3  }
0x8a: {  	s0 =	sadd.s32 s1, s0  }
0x8b: {  	[smem:$0x3FC6] =	sst s0  }
0x8c: {  	_ = 	snop  }
0x8d: {  	s0 =	sld [smem:$0x3FC8];
	(tm) =	ssettm $0x1  }
0x8e: {  	s16 =	sld [smem:$0x3FFB];
	_ =	sdelay $0x3  }
0x8f: {  	_ =	strace s16  }
0x90: {  	s1 =	sld [smem:$0x3FFC];
	_ =	sdelay $0x3  }
0x91: {  	_ =	strace s1  }
0x92: {  	s1 =	sld [smem:$0x3FFD];
	_ =	sdelay $0x3  }
0x93: {  	_ =	strace s1  }
0x94: {  	_ =	strace $0x8FFFFFFF  }
0x95: {  	s17 =	sld [smem:$0x3FDB];
	_ =	sdelay $0x1  }
0x96: {  	s2 =	simm.s32 $_scs_section_size  }
0x97: {  	s3 =	simm.s32 $_size__tile_overlayer_lowered;
	s4 =	simm.s32 $_tile_overlayer_lowered  }
0x98: {  	s20 =	simm.s32 $0x1BFF;
	s19 =	sshll.u32 s4, $0x1;
	s1 =	sadd.s32 s2, s17  }
0x99: {  	s5 =	simm.s32 $0x0;
	s18 =	sshll.u32 s3, $0x1;
	s3 =	sadd.s32 s19, s1  }
0x9a: {  	[timem:s5], [sflag:s20] =	dma.local [hbm:s3], s18  }
0x9b: {  	_ =	swait.ge [sflag:s20], s18  }
0x9c: {  	s2 =	ssub.s32 $0x0, s18;
	[sflag:s20] =	ssyncset.done $0x0  }
0x9d: {  	[sflag:s20] =	ssyncadd.s32 s2;
	_ =	sdelay $0x1  }
0x9e: {  	s21 =	simm.s32 $0x1B8B  }
0x9f: {  	_ =	swait.ge [sflag:s21], $0x1  }
0xa0: {  	[sflag:s21] =	ssyncset.done $0x0  }
0xa1: {  	s23 =	simm.s32 $0x1B8E;
	s22 =	sld [smem:$0x3FFE];
	[sflag:s21] =	ssyncadd.s32 $0xFFFFFFFF  }
0xa2: {  	s24 =	simm.s32 $execute0_lowered;
	[smem:$0x3FD2] =	sst s23  }
0xa3: {  	s3 =	sshll.u32 s24, $0x1;
	_ =	strace $0x80000046;
	[dreg:$0x1] =	wrdreg $0xFFFFFFFF  }
0xa4: {  	s25 =	simm.s32 $_size_execute0_lowered;
	s1 =	sadd.s32 s1, s3;
	[dreg:$0x0] =	wrdreg $0x0  }
0xa5: {  	s3 =	sshll.u32 s25, $0x1;
	[dreg:$0x2] =	wrdreg s1  }
0xa6: {  	[dreg:$0x3] =	wrdreg s3  }
0xa7: {  	[dreg:$0x4] =	wrdreg $0xC0  }
0xa8: {  	_ =	task [dreg:s5], $0x5FFFF  }
0xa9: {  	[dreg:$0x1] =	wrdreg $0xFFFFFFFF  }
0xaa: {  	[dreg:$0x0] =	wrdreg $0x60  }
0xab: {  	[dreg:$0x2] =	wrdreg s0  }
0xac: {  	[dreg:$0x3] =	wrdreg s22  }
0xad: {  	[dreg:$0x4] =	wrdreg $0xA  }
0xae: {  	_ =	task.clear_ibuf [dreg:s5], $0x5FFFF;
	_ =	strace $0x90000046  }
0xaf: {  	s26 =	simm.s32 $0xA;
	_ =	strace $0x80000048  }
0xb0: {  	_ =	swait.ge [sflag:s26], $0x1  }
0xb1: {  	[sflag:s26] =	ssyncadd.s32 $0xFFFFFFFF  }
0xb2: {  	_ =	strace $0x90000048  }
0xb3: {  	_ =	sfence  }
0xb4: {  	s28 =	sld [smem:$0x0];
	_ =	sdelay $0x1  }
0xb5: {  	s29 =	srdreg.scid  }
0xb6: {  	s30 =	sshll.u32 s29, $0xD;
	s31 =	sshrl.u32 s29, $0x2  }
0xb7: {  	s2 =	sand.u32 $0x4000, s30;
	s1 =	sand.u32 $0x1, s29;
	s0 =	sadd.s32 s31, s28  }
0xb8: {  	s1 =	sor.u32 s2, s1;
	s0 =	sshll.u32 s0, $0x11  }
0xb9: {  	s0 =	sor.u32 s0, s1  }
0xba: {  	s0 =	sadd.s32 $0x8F2B, s0  }
0xbb: {  	[sflag:s0] =	ssyncadd.remote.s32 $0x1  }
0xbc: {  	_ =	sfence.sel $0xFFFF  }
0xbd: {  	[dreg:$0x0] =	wrdreg $0xFFFFFFFF;
	(pc) =	sbr.abs _section_cstart, $3  }
0xbe: {  	[dreg:$0x1] =	wrdreg $0xFFFFFFFF  }
0xbf: {  	_ =	task.clear_ibuf [dreg:s5], $0x2FFFF;
	_ =	strace $0x9FFFFFFF  }
0xc0: {  	(tm) =	ssettm $0x7FFFFFFF  }
0xc1: {  	_ =	shalt  }
tec
execute0_lowered:
.L_overlay_start_1:
0x0: {  	(tag) =	ssettag $0x1  }
0x1: {  	s2 =	rddreg [dreg:$0x0]  }
0x2: {  	s3 =	rddreg [dreg:$0x1]  }
0x3: {  	s0 =	rddreg [dreg:$0x2];
	s1 =	stileid.u32  }
0x4: {  	_ =	strace $0x80000047;
	s6 =	simm.s32 $0x1;
	s8 =	simm.s32 $0x2  }
0x5: {  	s30 =	simm.s32 $0x3;
	s12 =	simm.s32 $0x0;
	s4 =	sshll.u32 s1, $0x4  }
0x6: {  	s9 =	simm.s32 $0x0;
	s10 =	simm.s32 $0x0;
	s7 =	ssub.s32 $0x1380, s4  }
0x7: {  	s5 =	sadd.s32 $0x400, s3;
	[sflag:s6] =	ssyncpa.u1 $0x0;
	s6 =	sshrl.u32 s7, $0x8  }
0x8: {  	[sflag:s8] =	ssyncpa.u1 $0x0;
	s11 =	smov.u32 s4;
	s31 =	sshll.u32 s6, $0x4  }
0x9: {  	[sflag:s30] =	ssyncpa.u1 $0x0;
	s7 =	sadd.s32 $0x2, s6;
	s8 =	sadd.s32 $0x30, s31  }
.LBB2_1:
0xa: {  	p0 =	sgt.u32 s10, s6  }
0xb: {  	s13 =	sxor.u32 @!p0 $0xFFFFFFFF, s9;
	s14 =	sshrl.u32 @!p0 s11, $0x3  }
0xc: {  	s15 =	sand.u32 @!p0 $0x7, s11;
	s13 =	sand.u32 @!p0 $0x10, s13;
	s14 =	sadd.s32 @!p0 s3, s14  }
0xd: {  	[tilespmem:s13], [sflag:$0x2] =	stream.linear.gather @!p0 [hbm4b:s14+s15], $0x10, $0x38;
	[tilespmem:$0x40] =	vst v63  }
0xe: {  	p0 =	seq.s32 s9, $0x0  }
0xf: {  	p1 =	sge.u32 @!p0 s10, s7  }
0x10: {  	p0 =	por p1, p0  }
0x11: {  	s13 =	simm.s32 @!p0 $0x2  }
0x12: {  	_ =	swait.ge @!p0 [sflag:s13], $0x10  }
0x13: {  	[sflag:s13] =	ssyncset.done @!p0 $0x0  }
0x14: {  	[sflag:s13] =	ssyncadd.s32 @!p0 $0xFFFFFFF0;
	s13 =	sand.u32 @!p0 $0x10, s9  }
0x15: {  	(ifvalue) =	ssetifvalue @!p0 $0x7FFFFFFF;
	v0 =	vld.msk @!p0 [tilespmem:s13+$0x0 ss:$0x1], $0xffff;
	_ =	sdelay $0x4  }
0x16: {  	vm0 =	vgt.s32 @!p0 v0, $0x0  }
0x17: {  	v0 =	vnsel @!p0 vm0, $0x0, v0  }
0x18: {  	v0 =	vmin.u32 @!p0 v0, $0x1387;
	_ =	sdelay $0x3  }
0x19: {  	s14 =	simm.s32 @!p0 $0x0;
	s13 =	sor.u32 @!p0 $0x20, s13;
	(ifvalue) =	ssetifvalue @!p0 $0x7FFFFFFF;
	vm0 =	vmmov @!p0 $0xffff  }
0x1a: {  	[tilespmem:s13], [sflag:$0x1] =	stream.indirect_vreg.gather @!p0 [hbm4b:s2+s14], $0x1, v0, vm0, $0x4038;
	[tilespmem:$0x40] =	vst v63  }
0x1b: {  	s14 =	simm.s32 @!p0 $0x1  }
0x1c: {  	_ =	swait.ge @!p0 [sflag:s14], $0x10  }
0x1d: {  	s15 =	sshrl.u32 @!p0 s12, $0x3;
	[sflag:s14] =	ssyncset.done @!p0 $0x0  }
0x1e: {  	s12 =	sand.u32 @!p0 $0x7, s12;
	[sflag:s14] =	ssyncadd.s32 @!p0 $0xFFFFFFF0;
	s14 =	sadd.s32 @!p0 s5, s15  }
0x1f: {  	[hbm4b:s14+s12] =	stream.linear.scatter @!p0 [tilespmem:s13], [sflag:$0x3], $0x10, $0x38;
	[tilespmem:$0x40] =	vst v63  }
0x20: {  	s14 =	sadd.s32 $0x100, s11  }
0x21: {  	s9 =	sadd.s32 $0x10, s9;
	p1 =	sgt.s32 s14, $0x1387  }
0x22: {  	s14 =	smov.u32 @p1 s4;
	p1 =	sne.s32 s8, s9  }
.Ltmp0:
0x23: {  	p0 =	slt.u32 s10, $0x2;
	(pc) =	sbr.rel @p1 .LBB2_1-.Ltmp0, $4  }
0x24: {  	s13 =	simm.s32 @!p0 $0x3  }
0x25: {  	_ =	swait.ge @!p0 [sflag:s13], $0x10  }
0x26: {  	s12 =	smov.u32 s11;
	[sflag:s13] =	ssyncset.done @!p0 $0x0  }
0x27: {  	s10 =	sadd.s32 $0x1, s10;
	s11 =	smov.u32 s14;
	[sflag:s13] =	ssyncadd.s32 @!p0 $0xFFFFFFF0  }
0x28: {  	_ =	sfence.sel $0x180000  }
0x29: {  	s2 =	simm.s32 $0x2;
	[bflag:$0x0] =	sbarrier.arrive $0xFFFF  }
0x2a: {  	s30 =	simm.s32 $0x3;
	[sflag:s2] =	ssyncpa.u1 $0x1  }
0x2b: {  	s31 =	simm.s32 $0x1;
	[sflag:s30] =	ssyncpa.u1 $0x1  }
0x2c: {  	[sflag:s31] =	ssyncpa.u1 $0x1  }
0x2d: {  	p0 =	sne.s32 s1, $0x0;
	_ =	strace $0x90000047  }
0x2e: {  	s0 =	sadd.s32 @!p0 $0x100000, s0;
	[bflag:$0x2] =	sbarrier.arrive $0xFFFF  }
0x2f: {  	[sflag:s0] =	ssyncadd.tile.s32 @!p0 $0x1;
	_ =	shalt  }
.Lfunc_end2:
_tile_overlayer_lowered:
.L_overlay_start_2:
0x30: {  	(tag) =	ssettag $0x2  }
0x31: {  	s0 =	rddreg [dreg:$0x0];
	s2 =	stileid.u32  }
0x32: {  	s1 =	rddreg [dreg:$0x1];
	p0 =	sne.s32 s2, $0x0  }
0x33: {  	s3 =	rddreg [dreg:$0x2];
	[bflag:$0x3] =	sbarrier.arrive $0xFFFF;
	s2 =	simm.s32 @!p0 $0x1C01  }
0x34: {  	[timem:s3], [sflag:s2] =	dma.local @!p0 [hbm:s0], s1  }
0x35: {  	s0 =	simm.s32 @!p0 $0x1  }
0x36: {  	_ =	swait.ge @!p0 [sflag:s0], s1  }
0x37: {  	s1 =	ssub.s32 @!p0 $0x0, s1;
	[sflag:s0] =	ssyncset.done @!p0 $0x0  }
0x38: {  	[sflag:s0] =	ssyncadd.s32 @!p0 s1  }
0x39: {  	[bflag:$0x3] =	sbarrier.arrive $0xFFFF  }
0x3a: {  	_ =	shalt  }

// kernel: gather_offload_async_start
scs
__scs_entry_jumppad:
0x0: {  	(pc) =	sbr.rel $0x88, $3  }
0x1: {  	(tag) =	ssettag $0x0;
	lr =	simm.s32 $0x1  }
0x2: {  	[smem:$0x3F9F] =	sst lr;
	_ =	strace $0xD0000000  }
0x3: {  	_ = 	snop  }
0x4: {  	_ = 	snop  }
0x5: {  	_ = 	snop  }
0x6: {  	_ = 	snop  }
0x7: {  	_ = 	snop  }
__scs_overlays_trampoline_lowered:
0x8: {  	[smem:$0x3FAE] =	sst s0  }
0x9: {  	[smem:$0x3FAF] =	sst s1  }
0xa: {  	[smem:$0x3FB0] =	sst s2  }
0xb: {  	[smem:$0x3FB1] =	sst s3  }
0xc: {  	[smem:$0x3FB2] =	sst s4  }
0xd: {  	[smem:$0x3FB3] =	sst s5  }
0xe: {  	[smem:$0x3FB4] =	sst s6  }
0xf: {  	[smem:$0x3FB5] =	sst s7  }
0x10: {  	[smem:$0x3FB6] =	sst s8  }
0x11: {  	[smem:$0x3FB7] =	sst s9;
	s0 =	simm.s32 @!p0 $0x0  }
0x12: {  	s1 =	sld [smem:$0x3F9D];
	s0 =	simm.s32 @p0 $0x1  }
0x13: {  	[smem:$0x3FB8] =	sst s0;
	s0 =	simm.s32 @!p1 $0x0  }
0x14: {  	s2 =	sld [smem:$0x3F9C];
	s0 =	simm.s32 @p1 $0x1  }
0x15: {  	[smem:$0x3FB9] =	sst s0;
	s0 =	simm.s32 @!p2 $0x0  }
0x16: {  	s3 =	sld [smem:$0x3FDB];
	s0 =	simm.s32 @p2 $0x1  }
0x17: {  	s4 =	simm.s32 $0x1BF5;
	[smem:$0x3FBB] =	sst s0  }
0x18: {  	s0 =	sld [smem:$0x3F9E];
	_ =	swait.ge [sflag:s4], $0x0  }
0x19: {  	s7 =	sld [smem:$0x3F9F]  }
0x1a: {  	s8 =	sadd.s32 $0xFFFFE003, lr  }
0x1b: {  	s9 =	sadd.s32 $0xFFFFFEF7, lr;
	s5 =	simm.s32 $0xFFFFFFFF;
	p2 =	slt.u32 s8, $0xFFFFF086  }
0x1c: {  	p1 =	slt.u32 s9, $0xF7A;
	s5 =	simm.s32 @!p2 $0x0  }
0x1d: {  	s5 =	simm.s32 @p1 $0x1;
	p0 =	seq.s32 s7, s2  }
0x1e: {  	s7 =	smul.u32 @!p0 $0xF7A, s2;
	p2 =	seq.s32 @!p0 s5, $0x0  }
0x1f: {  	s9 =	smul.u32 $0xF7A, s1;
	s8 =	simm.s32 @!p0 $0x1BF5;
	p2 =	por !p2, p0  }
0x20: {  	[sflag:s8] =	ssyncset.s32 @!p0 $0xFFFFF086;
	s6 =	sadd.s32 @!p0 s3, s7;
	s7 =	simm.s32 @!p0 $0x108  }
0x21: {  	s3 =	sadd.s32 s3, s9;
	s6 =	sadd.s32 @!p0 $0x88, s6;
	s7 =	simm.s32 @p2 $0x1082  }
0x22: {  	[simem:s7], [sflag:s8] =	dma.local @!p0 [hbm:s6], $0xF7A  }
0x23: {  	s9 =	sor.u32 $0xD0000000, s2;
	s6 =	simm.s32 $0x108;
	_ =	swait.ge @!p0 [sflag:s8], $0x0  }
0x24: {  	s3 =	sadd.s32 $0x88, s3;
	s6 =	simm.s32 @!p1 $0x1082;
	[sflag:s4] =	ssyncset.s32 $0xFFFFF086  }
0x25: {  	[simem:s6], [sflag:s4] =	dma.local [hbm:s3], $0xF7A  }
0x26: {  	[smem:$0x3F9F] =	sst s1;
	(tag) =	ssettag s2;
	_ =	strace s9  }
0x27: {  	s1 =	sld [smem:$0x3FAF]  }
0x28: {  	s2 =	sld [smem:$0x3FB0]  }
0x29: {  	s4 =	sld [smem:$0x3FB2]  }
0x2a: {  	p0 =	seq.s32 s5, $0x0;
	s5 =	sld [smem:$0x3FB3]  }
0x2b: {  	s6 =	sld [smem:$0x3FB4]  }
0x2c: {  	s7 =	sld [smem:$0x3FB5]  }
0x2d: {  	s3 =	simm.s32 $0x108;
	s8 =	sld [smem:$0x3FB6]  }
0x2e: {  	s3 =	simm.s32 @!p0 $0x1082;
	s9 =	sld [smem:$0x3FB7]  }
0x2f: {  	lr =	sadd.s32 s0, s3;
	s0 =	sld [smem:$0x3FAE]  }
0x30: {  	s3 =	sld [smem:$0x3FB1]  }
0x31: {  	[smem:$0x3FBA] =	sst s10  }
0x32: {  	s10 =	sld [smem:$0x3FB8];
	_ =	sdelay $0x3  }
0x33: {  	p0 =	seq.s32 s10, $0x1;
	s10 =	sld [smem:$0x3FBA];
	_ =	sdelay $0x3  }
0x34: {  	[smem:$0x3FBA] =	sst s10  }
0x35: {  	s10 =	sld [smem:$0x3FB9];
	_ =	sdelay $0x3  }
0x36: {  	p1 =	seq.s32 s10, $0x1;
	s10 =	sld [smem:$0x3FBA];
	_ =	sdelay $0x3  }
0x37: {  	[smem:$0x3FBA] =	sst s10  }
0x38: {  	s10 =	sld [smem:$0x3FBB]  }
0x39: {  	_ = 	snop;
	(pc) =	sbr.ind lr, $3  }
0x3a: {  	_ = 	snop  }
0x3b: {  	_ = 	snop  }
0x3c: {  	p2 =	seq.s32 s10, $0x1;
	s10 =	sld [smem:$0x3FBA]  }
0x3d: {  	_ =	shalt  }
0x3e: {  	_ =	shalt  }
0x3f: {  	_ =	shalt  }
0x40: {  	_ =	shalt  }
0x41: {  	_ =	shalt  }
0x42: {  	_ =	shalt  }
0x43: {  	_ =	shalt  }
0x44: {  	_ =	shalt  }
0x45: {  	_ =	shalt  }
0x46: {  	_ =	shalt  }
0x47: {  	_ =	shalt  }
0x48: {  	_ =	shalt  }
0x49: {  	_ =	shalt  }
0x4a: {  	_ =	shalt  }
0x4b: {  	_ =	shalt  }
0x4c: {  	_ =	shalt  }
0x4d: {  	_ =	shalt  }
0x4e: {  	_ =	shalt  }
0x4f: {  	_ =	shalt  }
0x50: {  	_ =	shalt  }
0x51: {  	_ =	shalt  }
0x52: {  	_ =	shalt  }
0x53: {  	_ =	shalt  }
0x54: {  	_ =	shalt  }
0x55: {  	_ =	shalt  }
0x56: {  	_ =	shalt  }
0x57: {  	_ =	shalt  }
0x58: {  	_ =	shalt  }
0x59: {  	_ =	shalt  }
0x5a: {  	_ =	shalt  }
0x5b: {  	_ =	shalt  }
0x5c: {  	_ =	shalt  }
0x5d: {  	_ =	shalt  }
0x5e: {  	_ =	shalt  }
0x5f: {  	_ =	shalt  }
0x60: {  	_ =	shalt  }
0x61: {  	_ =	shalt  }
0x62: {  	_ =	shalt  }
0x63: {  	_ =	shalt  }
0x64: {  	_ =	shalt  }
0x65: {  	_ =	shalt  }
0x66: {  	_ =	shalt  }
0x67: {  	_ =	shalt  }
0x68: {  	_ =	shalt  }
0x69: {  	_ =	shalt  }
0x6a: {  	_ =	shalt  }
0x6b: {  	_ =	shalt  }
0x6c: {  	_ =	shalt  }
0x6d: {  	_ =	shalt  }
0x6e: {  	_ =	shalt  }
0x6f: {  	_ =	shalt  }
0x70: {  	_ =	shalt  }
0x71: {  	_ =	shalt  }
0x72: {  	_ =	shalt  }
0x73: {  	_ =	shalt  }
0x74: {  	_ =	shalt  }
0x75: {  	_ =	shalt  }
0x76: {  	_ =	shalt  }
0x77: {  	_ =	shalt  }
0x78: {  	_ =	shalt  }
0x79: {  	_ =	shalt  }
0x7a: {  	_ =	shalt  }
0x7b: {  	_ =	shalt  }
0x7c: {  	_ =	shalt  }
0x7d: {  	_ =	shalt  }
0x7e: {  	_ =	shalt  }
0x7f: {  	_ =	shalt  }
0x80: {  	_ =	shalt  }
0x81: {  	_ =	shalt  }
0x82: {  	_ =	shalt  }
0x83: {  	_ =	shalt  }
0x84: {  	_ =	shalt  }
0x85: {  	_ =	shalt  }
0x86: {  	_ =	shalt  }
0x87: {  	_ =	shalt  }
.Lfunc_end0:
.L_simem_size_0:
called_computation_lowered:
.L_overlay_start_0:
0x88: {  	s0 =	sld [smem:$0x3FD9]  }
0x89: {  	s1 =	sld [smem:$0x3FFE];
	_ =	sdelay $0x3  }
0x8a: {  	s0 =	sadd.s32 s1, s0  }
0x8b: {  	[smem:$0x3FC6] =	sst s0  }
0x8c: {  	_ = 	snop  }
0x8d: {  	(tm) =	ssettm $0x1  }
0x8e: {  	s15 =	sld [smem:$0x3FFB];
	_ =	sdelay $0x3  }
0x8f: {  	_ =	strace s15  }
0x90: {  	s0 =	sld [smem:$0x3FFC];
	_ =	sdelay $0x3  }
0x91: {  	_ =	strace s0  }
0x92: {  	s0 =	sld [smem:$0x3FFD];
	_ =	sdelay $0x3  }
0x93: {  	_ =	strace s0  }
0x94: {  	_ =	strace $0x8FFFFFFF  }
0x95: {  	s16 =	sld [smem:$0x3FDB];
	_ =	sdelay $0x1  }
0x96: {  	s17 =	simm.s32 $_scs_section_size  }
0x97: {  	s2 =	simm.s32 $_size__tile_overlayer_lowered;
	s3 =	simm.s32 $_tile_overlayer_lowered  }
0x98: {  	s20 =	simm.s32 $0x1BFF;
	s19 =	sshll.u32 s3, $0x1;
	s0 =	sadd.s32 s17, s16  }
0x99: {  	s4 =	simm.s32 $0x0;
	s18 =	sshll.u32 s2, $0x1;
	s2 =	sadd.s32 s19, s0  }
0x9a: {  	[timem:s4], [sflag:s20] =	dma.local [hbm:s2], s18  }
0x9b: {  	_ =	swait.ge [sflag:s20], s18  }
0x9c: {  	s1 =	ssub.s32 $0x0, s18;
	[sflag:s20] =	ssyncset.done $0x0  }
0x9d: {  	[sflag:s20] =	ssyncadd.s32 s1;
	_ =	sdelay $0x1  }
0x9e: {  	s21 =	simm.s32 $0x1B8B  }
0x9f: {  	_ =	swait.ge [sflag:s21], $0x1  }
0xa0: {  	[sflag:s21] =	ssyncset.done $0x0  }
0xa1: {  	s23 =	simm.s32 $0x1B8E;
	s22 =	sld [smem:$0x3FFE];
	[sflag:s21] =	ssyncadd.s32 $0xFFFFFFFF  }
0xa2: {  	s24 =	simm.s32 $execute0_lowered;
	[smem:$0x3FD2] =	sst s23  }
0xa3: {  	s2 =	sshll.u32 s24, $0x1;
	_ =	strace $0x80000049;
	[dreg:$0x1] =	wrdreg $0xFFFFFFFF  }
0xa4: {  	s25 =	simm.s32 $_size_execute0_lowered;
	s0 =	sadd.s32 s0, s2;
	[dreg:$0x0] =	wrdreg $0x0  }
0xa5: {  	s2 =	sshll.u32 s25, $0x1;
	[dreg:$0x2] =	wrdreg s0  }
0xa6: {  	[dreg:$0x3] =	wrdreg s2  }
0xa7: {  	[dreg:$0x4] =	wrdreg $0xC0  }
0xa8: {  	_ =	task [dreg:s4], $0x5FFFF  }
0xa9: {  	[dreg:$0x1] =	wrdreg $0xFFFFFFFF  }
0xaa: {  	[dreg:$0x0] =	wrdreg $0x60  }
0xab: {  	[dreg:$0x2] =	wrdreg s22  }
0xac: {  	[dreg:$0x3] =	wrdreg $0x9  }
0xad: {  	_ =	task.clear_ibuf [dreg:s4], $0x4FFFF;
	_ =	strace $0x90000049  }
0xae: {  	s26 =	simm.s32 $0x9;
	_ =	strace $0x8000004B  }
0xaf: {  	_ =	swait.ge [sflag:s26], $0x1  }
0xb0: {  	[sflag:s26] =	ssyncadd.s32 $0xFFFFFFFF  }
0xb1: {  	_ =	strace $0x9000004B  }
0xb2: {  	_ =	sfence  }
0xb3: {  	s28 =	sld [smem:$0x0];
	_ =	sdelay $0x1  }
0xb4: {  	s29 =	srdreg.scid  }
0xb5: {  	s30 =	sshll.u32 s29, $0xD;
	s31 =	sshrl.u32 s29, $0x2  }
0xb6: {  	s1 =	sand.u32 $0x1, s29;
	s2 =	sand.u32 $0x4000, s30;
	s0 =	sadd.s32 s31, s28  }
0xb7: {  	s1 =	sor.u32 s2, s1;
	s0 =	sshll.u32 s0, $0x11  }
0xb8: {  	s0 =	sor.u32 s0, s1  }
0xb9: {  	s0 =	sadd.s32 $0x8F2B, s0  }
0xba: {  	[sflag:s0] =	ssyncadd.remote.s32 $0x1  }
0xbb: {  	_ =	sfence.sel $0xFFFF  }
0xbc: {  	[dreg:$0x0] =	wrdreg $0xFFFFFFFF;
	(pc) =	sbr.abs _section_cstart, $3  }
0xbd: {  	[dreg:$0x1] =	wrdreg $0xFFFFFFFF  }
0xbe: {  	_ =	task.clear_ibuf [dreg:s4], $0x2FFFF;
	_ =	strace $0x9FFFFFFF  }
0xbf: {  	(tm) =	ssettm $0x7FFFFFFF  }
tec
execute0_lowered:
.L_overlay_start_1:
0x0: {  	(tag) =	ssettag $0x1  }
0x1: {  	s0 =	stileid.u32  }
0x2: {  	s1 =	smin.u32 s0, $0x9  }
0x3: {  	s1 =	sadd.s32 s0, s1  }
0x4: {  	s2 =	simm.s32 $0x190;
	p0 =	slt.u32 s0, $0x9;
	s1 =	smul.u32 $0xC8, s1  }
0x5: {  	s2 =	simm.s32 @!p0 $0xC8  }
0x6: {  	s2 =	sadd.s32 s2, s1  }
0x7: {  	s3 =	smin.u32 s2, $0x1388  }
0x8: {  	s7 =	ssub.s32 s3, s1  }
0x9: {  	p0 =	sgt.s32 s7, $0x0  }
0xa: {  	s7 =	simm.s32 @!p0 $0x0  }
0xb: {  	s31 =	sand.u32 $0xFFF8, s7  }
0xc: {  	s2 =	sshrl.u32 s31, $0x3  }
0xd: {  	s2 =	smul.u32 $0x147B, s2  }
0xe: {  	s4 =	rddreg [dreg:$0x0];
	s6 =	simm.s32 $0x1  }
0xf: {  	s10 =	simm.s32 $0x3;
	s13 =	simm.s32 $0x0;
	s8 =	sshrl.u32 s2, $0x11  }
0x10: {  	s12 =	simm.s32 $0x0;
	s5 =	sadd.s32 $0x800, s4;
	s9 =	smul.u32 $0xC8, s8  }
.Ltmp0:
0x11: {  	s11 =	smov.u32 s1;
	s2 =	rddreg [dreg:$0x1];
	(pc) =	sbr.rel .LBB2_1-.Ltmp0, $4  }
0x12: {  	_ =	strace $0x8000004A;
	p0 =	sne.s32 s7, s9;
	s9 =	simm.s32 $0x1  }
0x13: {  	[sflag:s6] =	ssyncpa.u1 $0x0;
	s7 =	simm.s32 $0x2;
	s9 =	simm.s32 @!p0 $0x0  }
0x14: {  	[sflag:s7] =	ssyncpa.u1 $0x0;
	p0 =	por $0x0, $0x0;
	s8 =	sadd.s32 s8, s9  }
0x15: {  	vm0 =	vmmov $0xff;
	vm1 =	vcmask $0x3F20;
	s9 =	sadd.s32 $0x14200, s4;
	[sflag:s10] =	ssyncpa.u1 $0x0;
	s10 =	sadd.s32 $0x1, s8  }
.LBB2_6:
0x16: {  	[hbm:s17] =	stream.linear.scatter [tilespmem:s14], [sflag:$0x3], $0x400, $0x38;
	[tilespmem:$0xC990] =	vst v63  }
.LBB2_7:
0x17: {  	s13 =	sadd.s32 $0xC8, s11  }
0x18: {  	s15 =	smov.u32 s1;
	p2 =	slt.s32 s13, s3  }
0x19: {  	s15 =	smov.u32 @p2 s13;
	p2 =	sne.s32 s12, s10  }
.Ltmp1:
0x1a: {  	p1 =	slt.u32 s12, $0x2;
	(pc) =	sbr.rel @!p2 .LBB2_8-.Ltmp1, $4  }
0x1b: {  	s14 =	simm.s32 @!p1 $0x3  }
0x1c: {  	s16 =	sadd.s32 $0x1, s12;
	_ =	swait.ge @!p1 [sflag:s14], $0x6400  }
0x1d: {  	p0 =	por !p0, !p0;
	s13 =	smov.u32 s11;
	[sflag:s14] =	ssyncset.done @!p1 $0x0  }
0x1e: {  	s12 =	smov.u32 s16;
	s11 =	smov.u32 s15;
	[sflag:s14] =	ssyncadd.s32 @!p1 $0xFFFF9C00  }
.LBB2_1:
0x1f: {  	p1 =	sge.u32 s12, s8  }
0x20: {  	s14 =	sxor.u32 @!p1 $0xFFFFFFFF, s12  }
0x21: {  	s14 =	sand.u32 @!p1 $0x1, s14  }
0x22: {  	s14 =	smul.u32 @!p1 $0x320, s14  }
0x23: {  	s31 =	sadd.s32 $0xFFFFFFFF, s12;
	s15 =	sshrl.u32 @!p1 s11, $0x3  }
0x24: {  	s16 =	sand.u32 @!p1 $0x7, s11;
	s15 =	sadd.s32 @!p1 s4, s15;
	s14 =	sshrl.u32 @!p1 s14, $0x2  }
0x25: {  	[tilespmem:s14], [sflag:$0x2] =	stream.linear.gather @!p1 [hbm4b:s15+s16], $0xC8, $0x38;
	[tilespmem:$0xC990] =	vst v63  }
0x26: {  	p1 =	sge.u32 s31, s8  }
.Ltmp2:
0x27: {  	_ = 	snop;
	(pc) =	sbr.rel @p1 .LBB2_7-.Ltmp2, $1  }
0x28: {  	_ =	sdelay $0x3  }
0x29: {  	s14 =	simm.s32 $0x1  }
0x2a: {  	s14 =	simm.s32 @!p0 $0x0  }
0x2b: {  	s15 =	smul.u32 $0x320, s14  }
0x2c: {  	_ =	swait.ge [sflag:s7], $0xC8  }
0x2d: {  	[sflag:s7] =	ssyncset.done $0x0;
	s16 =	sshrl.u32 s15, $0x2  }
0x2e: {  	[sflag:s7] =	ssyncadd.s32 $0xFFFFFF38;
	s15 =	sadd.s32 $0x0, s16  }
0x2f: {  	v0 =	vld.msk [tilespmem:s15+$0x0 ss:$0x1], $0xffff;
	_ =	sdelay $0x4  }
0x30: {  	vm2 =	vgt.s32 v0, $0x0  }
0x31: {  	v0 =	vnsel vm2, $0x0, v0  }
0x32: {  	v0 =	vmin.u32 v0, $0x1387  }
0x33: {  	v0 =	vshll.u32 v0, $0x4  }
0x34: {  	s14 =	smul.u32 $0x19000, s14  }
0x35: {  	s31 =	sand.u32 $0x1, s12  }
0x36: {  	s17 =	smul.u32 $0x320, s31;
	s14 =	sshrl.u32 s14, $0x2  }
0x37: {  	s19 =	smul.u32 $0x19000, s31;
	s14 =	sor.u32 $0x190, s14  }
0x38: {  	[tilespmem:s14], [sflag:$0x1] =	stream.indirect_vreg.gather [hbm:s5], $0x80, v0, vm0, $0x38;
	[tilespmem:$0xC990] =	vst v63  }
0x39: {  	s18 =	sshrl.u32 s17, $0x2;
	s20 =	sadd.s32 $0x10, s16;
	s15 =	sadd.s32 $0x400, s14  }
0x3a: {  	[tilespmem:s15], [sflag:$0x1] =	stream.indirect_vreg.gather [hbm:s5], $0x80, v0, vm1, $0x38;
	[tilespmem:$0xC990] =	vst v63  }
0x3b: {  	s17 =	sshrl.u32 s19, $0x2;
	s19 =	smov.u32 s14;
	v0 =	vld.msk [tilespmem:s20+$0x0 ss:$0x1], $0xffff;
	s20 =	simm.s32 $0x80  }
.LBB2_3:
0x3c: {  	p1 =	sne.s32 s20, $0x2C0;
	_ =	sdelay $0x4  }
0x3d: {  	vm2 =	vgt.s32 v0, $0x0  }
0x3e: {  	v0 =	vnsel vm2, $0x0, v0  }
0x3f: {  	v0 =	vmin.u32 v0, $0x1387  }
0x40: {  	v0 =	vshll.u32 v0, $0x4;
	_ =	sdelay $0x3  }
.Ltmp3:
0x41: {  	s21 =	sshra.s32 s20, $0x2;
	s19 =	sadd.s32 $0x800, s19;
	(pc) =	sbr.rel @p1 .LBB2_3-.Ltmp3, $4  }
0x42: {  	[tilespmem:s19], [sflag:$0x1] =	stream.indirect_vreg.gather [hbm:s5], $0x80, v0, vm0, $0x38;
	[tilespmem:$0xC990] =	vst v63  }
0x43: {  	s21 =	sadd.s32 s21, s16;
	s22 =	sadd.s32 $0x400, s19  }
0x44: {  	[tilespmem:s22], [sflag:$0x1] =	stream.indirect_vreg.gather [hbm:s5], $0x80, v0, vm1, $0x38;
	[tilespmem:$0xC990] =	vst v63  }
0x45: {  	s20 =	sadd.s32 $0x40, s20;
	v0 =	vld.msk [tilespmem:s21+$0x0 ss:$0x1], $0xffff  }
0x46: {  	_ =	sdelay $0x3  }
0x47: {  	vm2 =	vgt.s32 v0, $0x0  }
0x48: {  	v0 =	vnsel vm2, $0x0, v0  }
0x49: {  	v0 =	vmin.u32 v0, $0x1387  }
0x4a: {  	v0 =	vshll.u32 v0, $0x4;
	_ =	sdelay $0x3  }
0x4b: {  	s16 =	sadd.s32 $0x800, s19  }
0x4c: {  	[tilespmem:s16], [sflag:$0x1] =	stream.indirect_vreg.gather [hbm:s5], $0x80, v0, vm0, $0x38;
	[tilespmem:$0xC990] =	vst v63  }
0x4d: {  	s16 =	sadd.s32 $0x400, s16  }
0x4e: {  	[tilespmem:s16], [sflag:$0x1] =	stream.indirect_vreg.gather [hbm:s5], $0x80, v0, vm1, $0x38;
	[tilespmem:$0xC990] =	vst v63  }
0x4f: {  	v0 =	vld.msk [tilespmem:s18+$0xC0 ss:$0x1], $0xff;
	_ =	sdelay $0x4  }
0x50: {  	vm2 =	vgt.s32 v0, $0x0  }
0x51: {  	v0 =	vnsel vm2, $0x0, v0  }
0x52: {  	v0 =	vmin.u32 v0, $0x1387  }
0x53: {  	v0 =	vshll.u32 v0, $0x4;
	_ =	sdelay $0x3  }
0x54: {  	s31 =	sadd.s32 $0x6190, s17  }
0x55: {  	[tilespmem:s31], [sflag:$0x1] =	stream.indirect_vreg.gather [hbm:s5], $0x80, v0, vm0, $0x38;
	[tilespmem:$0xC990] =	vst v63  }
0x56: {  	s13 =	sshll.u32 s13, $0x4;
	_ =	swait.ge [sflag:s6], $0x6400  }
0x57: {  	s13 =	sadd.s32 s13, s9;
	[sflag:s6] =	ssyncset.done $0x0  }
0x58: {  	s17 =	sadd.s32 $0x0, s13;
	s16 =	simm.s32 $0x80;
	[sflag:s6] =	ssyncadd.s32 $0xFFFF9C00  }
.LBB2_5:
0x59: {  	[hbm:s17] =	stream.linear.scatter [tilespmem:s14], [sflag:$0x3], $0x400, $0x38;
	[tilespmem:$0xC990] =	vst v63  }
0x5a: {  	s17 =	smov.u32 s16;
	s14 =	smov.u32 s15;
	p1 =	sne.s32 s16, $0xC00  }
.Ltmp4:
0x5b: {  	s16 =	sadd.s32 $0x80, s16;
	(pc) =	sbr.rel @p1 .LBB2_5-.Ltmp4, $2  }
0x5c: {  	_ =	sdelay $0x2  }
0x5d: {  	s15 =	sadd.s32 $0x400, s15;
	s17 =	sadd.s32 s17, s13  }
.Ltmp5:
0x5e: {  	_ = 	snop;
	(pc) =	sbr.rel .LBB2_6-.Ltmp5, $1  }
0x5f: {  	_ =	sdelay $0x3  }
.LBB2_8:
0x60: {  	_ =	sfence.sel $0x180000  }
0x61: {  	s1 =	simm.s32 $0x2;
	[bflag:$0x0] =	sbarrier.arrive $0xFFFF  }
0x62: {  	s30 =	simm.s32 $0x3;
	[sflag:s1] =	ssyncpa.u1 $0x1  }
0x63: {  	s31 =	simm.s32 $0x1;
	[sflag:s30] =	ssyncpa.u1 $0x1  }
0x64: {  	[sflag:s31] =	ssyncpa.u1 $0x1  }
0x65: {  	p0 =	sne.s32 s0, $0x0;
	_ =	strace $0x9000004A  }
0x66: {  	s0 =	sadd.s32 @!p0 $0x100000, s2;
	[bflag:$0x2] =	sbarrier.arrive $0xFFFF  }
0x67: {  	[sflag:s0] =	ssyncadd.tile.s32 @!p0 $0x1;
	_ =	shalt  }
.Lfunc_end2:
_tile_overlayer_lowered:
.L_overlay_start_2:
0x68: {  	(tag) =	ssettag $0x2  }
0x69: {  	s0 =	rddreg [dreg:$0x0];
	s2 =	stileid.u32  }
0x6a: {  	s1 =	rddreg [dreg:$0x1];
	p0 =	sne.s32 s2, $0x0  }
0x6b: {  	s3 =	rddreg [dreg:$0x2];
	[bflag:$0x3] =	sbarrier.arrive $0xFFFF;
	s2 =	simm.s32 @!p0 $0x1C01  }
0x6c: {  	[timem:s3], [sflag:s2] =	dma.local @!p0 [hbm:s0], s1  }
0x6d: {  	s0 =	simm.s32 @!p0 $0x1  }
0x6e: {  	_ =	swait.ge @!p0 [sflag:s0], s1  }
0x6f: {  	s1 =	ssub.s32 @!p0 $0x0, s1;
	[sflag:s0] =	ssyncset.done @!p0 $0x0  }
0x70: {  	[sflag:s0] =	ssyncadd.s32 @!p0 s1  }
0x71: {  	[bflag:$0x3] =	sbarrier.arrive $0xFFFF  }
0x72: {  	_ =	shalt  }

</sc_bundles>
